<compile_context>
chip_gen: v7x
topology: tpu7x:2x2x1
jax: 0.10.2.dev20260603
libtpu: 0.0.44.dev20260713+nightly
codegen_flags: <defaults>
</compile_context>

<pallas_src>
import functools

import jax
import jax.numpy as jnp
from jax import lax
from jax.experimental import pallas as pl
from jax.experimental.pallas import tpu as pltpu
from jax.experimental.pallas import tpu_sc as plsc

_N = 10000
_E = 320000
_D = 128
_G = 16
_OUT = 10
_NC = 2
_NS = 16
_K = 96
_NCHUNK = 105
_EPT = _NCHUNK * _K
_EPAD = _NC * _NS * _EPT
_NPAD = 10240
_RPT = _NPAD // _NS
_R = 1000
_NB = _N // _R


def _sc_mesh():
    return plsc.VectorSubcoreMesh(
        core_axis_name="c", subcore_axis_name="s",
        num_cores=_NC, num_subcores=_NS)


def _sc_degree(dst3):
    ones_rows = jnp.ones((_K, _D), jnp.float32)
    zeros_tile = jnp.zeros((_RPT, _D), jnp.float32)

    @functools.partial(
        pl.kernel,
        out_type=jax.ShapeDtypeStruct((_NC, _NPAD, _D), jnp.float32),
        mesh=_sc_mesh(),
        scratch_types=[
            pltpu.VMEM((_NCHUNK, _K), jnp.int32),
            pltpu.VMEM((_K, _D), jnp.float32),
            pltpu.VMEM_SHARED((_NPAD, _D), jnp.float32),
            pltpu.SemaphoreType.DMA,
        ],
    )
    def deg_kernel(dst_hbm, ones_hbm, zeros_hbm, out_hbm, didx, ones_v, deg_sh, sem):
        c = lax.axis_index("c")
        s = lax.axis_index("s")
        tile = c * _NS + s
        pltpu.sync_copy(ones_hbm, ones_v)
        pltpu.sync_copy(dst_hbm.at[tile], didx)
        pltpu.sync_copy(zeros_hbm, deg_sh.at[pl.ds(s * _RPT, _RPT)])
        plsc.subcore_barrier()

        def fire(j, carry):
            pltpu.async_copy(ones_v, deg_sh.at[didx.at[j]], sem, add=True)
            return carry

        def drain(j, carry):
            pltpu.make_async_copy(ones_v, deg_sh.at[didx.at[j]], sem).wait()
            return carry

        lax.fori_loop(0, _NCHUNK, fire, 0)
        lax.fori_loop(0, _NCHUNK, drain, 0)
        plsc.subcore_barrier()
        pltpu.sync_copy(deg_sh.at[pl.ds(s * _RPT, _RPT)],
                        out_hbm.at[c, pl.ds(s * _RPT, _RPT)])

    return deg_kernel(dst3, ones_rows, zeros_tile)


def _sc_edge_scatter(sd4, g):
    zeros_tile = jnp.zeros((_RPT, _D), jnp.float32)
    nbuf = 3

    @functools.partial(
        pl.kernel,
        out_type=jax.ShapeDtypeStruct((_NC, _NPAD, _D), jnp.float32),
        mesh=_sc_mesh(),
        scratch_types=(
            [pltpu.VMEM((2, _K), jnp.int32)] * nbuf
            + [pltpu.VMEM((_K, _D), jnp.float32)] * nbuf
            + [pltpu.VMEM_SHARED((_NPAD, _D), jnp.float32)]
            + [pltpu.SemaphoreType.DMA] * (2 * nbuf)
        ),
    )
    def edge_kernel(sd_hbm, g_hbm, zeros_hbm, out_hbm, *refs):
        sds = refs[:nbuf]
        rows = refs[nbuf:2 * nbuf]
        agg_sh = refs[2 * nbuf]
        gsems = refs[2 * nbuf + 1:2 * nbuf + 1 + nbuf]
        ssems = refs[2 * nbuf + 1 + nbuf:]
        c = lax.axis_index("c")
        s = lax.axis_index("s")
        tile = c * _NS + s
        pltpu.sync_copy(zeros_hbm, agg_sh.at[pl.ds(s * _RPT, _RPT)])
        plsc.subcore_barrier()

        for q in range(nbuf):
            pltpu.sync_copy(sd_hbm.at[tile, q], sds[q])
            pltpu.async_copy(g_hbm.at[sds[q].at[0]], rows[q], gsems[q])

        def body(i, carry):
            j0 = nbuf * i
            for q in range(nbuf):
                pltpu.make_async_copy(g_hbm.at[sds[q].at[0]], rows[q],
                                      gsems[q]).wait()
                pltpu.async_copy(rows[q], agg_sh.at[sds[q].at[1]], ssems[q],
                                 add=True)
            for q in range(nbuf):
                pltpu.make_async_copy(rows[q], agg_sh.at[sds[q].at[1]],
                                      ssems[q]).wait()

                @pl.when(j0 + nbuf + q < _NCHUNK)
                def _next(q=q):
                    pltpu.sync_copy(sd_hbm.at[tile, j0 + nbuf + q], sds[q])
                    pltpu.async_copy(g_hbm.at[sds[q].at[0]], rows[q], gsems[q])

            return carry

        lax.fori_loop(0, _NCHUNK // nbuf, body, 0)
        plsc.subcore_barrier()
        pltpu.sync_copy(agg_sh.at[pl.ds(s * _RPT, _RPT)],
                        out_hbm.at[c, pl.ds(s * _RPT, _RPT)])

    return edge_kernel(sd4, g, zeros_tile)


def _dinv_block(d_ref):
    deg = d_ref[0, :, 0:1] + d_ref[1, :, 0:1] + 1.0
    return lax.rsqrt(deg)


def _tc_first(x, W1, degp):
    def body(x_ref, w_ref, d_ref, o_ref):
        dinv = _dinv_block(d_ref)
        o_ref[...] = jnp.dot(x_ref[...], w_ref[...],
                             preferred_element_type=jnp.float32) * dinv

    return pl.pallas_call(
        body,
        grid=(_NB,),
        in_specs=[
            pl.BlockSpec((_R, _D), lambda i: (i, 0)),
            pl.BlockSpec((_D, _D), lambda i: (0, 0)),
            pl.BlockSpec((_NC, _R, _D), lambda i: (0, i, 0)),
        ],
        out_specs=pl.BlockSpec((_R, _D), lambda i: (i, 0)),
        out_shape=jax.ShapeDtypeStruct((_N, _D), jnp.float32),
    )(x, W1, degp)


def _tc_mid(acc, g, degp, b, W2):
    def body(a_ref, g_ref, d_ref, b_ref, w_ref, o_ref):
        dinv = _dinv_block(d_ref)
        agg = dinv * (a_ref[0] + a_ref[1] + g_ref[...]) + b_ref[...]
        x2 = jnp.maximum(agg, 0.0)
        o_ref[...] = jnp.dot(x2, w_ref[...],
                             preferred_element_type=jnp.float32) * dinv

    return pl.pallas_call(
        body,
        grid=(_NB,),
        in_specs=[
            pl.BlockSpec((_NC, _R, _D), lambda i: (0, i, 0)),
            pl.BlockSpec((_R, _D), lambda i: (i, 0)),
            pl.BlockSpec((_NC, _R, _D), lambda i: (0, i, 0)),
            pl.BlockSpec((1, _D), lambda i: (0, 0)),
            pl.BlockSpec((_D, _D), lambda i: (0, 0)),
        ],
        out_specs=pl.BlockSpec((_R, _D), lambda i: (i, 0)),
        out_shape=jax.ShapeDtypeStruct((_N, _D), jnp.float32),
    )(acc, g, degp, b, W2)


def _tc_final(acc, g, degp, b, batch3, fc1_W, fc1_b, fc2_Wp, fc2_bp):
    def body(a_ref, g_ref, d_ref, b_ref, bt_ref, w1_ref, b1_ref, w2_ref, b2_ref,
             o_ref, sum_sc, cnt_sc):
        i = pl.program_id(0)

        @pl.when(i == 0)
        def _init():
            sum_sc[...] = jnp.zeros_like(sum_sc)
            cnt_sc[...] = jnp.zeros_like(cnt_sc)

        dinv = _dinv_block(d_ref)
        agg = dinv * (a_ref[0] + a_ref[1] + g_ref[...]) + b_ref[...]
        x3 = jnp.maximum(agg, 0.0)
        bt = bt_ref[0, 0, :]
        onehot = (bt[None, :] ==
                  lax.broadcasted_iota(jnp.int32, (_G, _R), 0)).astype(jnp.float32)
        sum_sc[...] += jnp.dot(onehot, x3, preferred_element_type=jnp.float32)
        cnt_sc[...] += jnp.sum(onehot, axis=1, keepdims=True)

        @pl.when(i == _NB - 1)
        def _finish():
            pooled = sum_sc[...] / jnp.maximum(cnt_sc[...], 1.0)
            h = jnp.maximum(
                jnp.dot(pooled, w1_ref[...],
                        preferred_element_type=jnp.float32) + b1_ref[...], 0.0)
            logits = jnp.dot(h, w2_ref[...],
                             preferred_element_type=jnp.float32) + b2_ref[...]
            col = lax.broadcasted_iota(jnp.int32, (_G, _D), 1)
            logits = jnp.where(col < _OUT, logits, -1e30)
            m = jnp.max(logits, axis=1, keepdims=True)
            e = jnp.exp(logits - m)
            e = jnp.where(col < _OUT, e, 0.0)
            o_ref[...] = e / jnp.sum(e, axis=1, keepdims=True)

    return pl.pallas_call(
        body,
        grid=(_NB,),
        in_specs=[
            pl.BlockSpec((_NC, _R, _D), lambda i: (0, i, 0)),
            pl.BlockSpec((_R, _D), lambda i: (i, 0)),
            pl.BlockSpec((_NC, _R, _D), lambda i: (0, i, 0)),
            pl.BlockSpec((1, _D), lambda i: (0, 0)),
            pl.BlockSpec((1, 1, _R), lambda i: (i, 0, 0)),
            pl.BlockSpec((_D, _D), lambda i: (0, 0)),
            pl.BlockSpec((1, _D), lambda i: (0, 0)),
            pl.BlockSpec((_D, _D), lambda i: (0, 0)),
            pl.BlockSpec((1, _D), lambda i: (0, 0)),
        ],
        out_specs=pl.BlockSpec((_G, _D), lambda i: (0, 0)),
        out_shape=jax.ShapeDtypeStruct((_G, _D), jnp.float32),
        scratch_shapes=[
            pltpu.VMEM((_G, _D), jnp.float32),
            pltpu.VMEM((_G, 1), jnp.float32),
        ],
    )(acc, g, degp, b, batch3, fc1_W, fc1_b, fc2_Wp, fc2_bp)


def kernel(x, edge_index, batch, W1, b1, W2, b2, fc1_W, fc1_b, fc2_W, fc2_b):
    src = edge_index[0].astype(jnp.int32)
    dst = edge_index[1].astype(jnp.int32)
    batch3 = batch.astype(jnp.int32).reshape(_NB, 1, _R)

    pad = _EPAD - _E
    pad_idx = jnp.arange(pad, dtype=jnp.int32)
    src_p = jnp.concatenate([src, pad_idx % _N])
    dst_p = jnp.concatenate([dst, _N + pad_idx % (_NPAD - _N)])
    T = _NC * _NS
    sd4 = jnp.concatenate(
        [src_p.reshape(T, _NCHUNK, 1, _K), dst_p.reshape(T, _NCHUNK, 1, _K)],
        axis=2)
    dst3 = dst_p.reshape(T, _NCHUNK, _K)

    degp = _sc_degree(dst3)
    g1 = _tc_first(x, W1, degp)
    acc1 = _sc_edge_scatter(sd4, g1)
    g2 = _tc_mid(acc1, g1, degp, b1.reshape(1, _D), W2)
    acc2 = _sc_edge_scatter(sd4, g2)

    fc2_Wp = jnp.zeros((_D, _D), jnp.float32).at[:, :_OUT].set(fc2_W)
    fc2_bp = jnp.zeros((1, _D), jnp.float32).at[0, :_OUT].set(fc2_b)
    out = _tc_final(acc2, g2, degp, b2.reshape(1, _D), batch3,
                    fc1_W, fc1_b.reshape(1, _D), fc2_Wp, fc2_bp)
    return out[:, :_OUT]

# --- scband reference (transcript-rebuilt; emitter-appended) ---
"""Pipeline reference for scband-gnnpolicy-network-25744033972726 (READ-ONLY COPY).

The authoritative reference and input builder live on the scoring server;
editing this copy changes nothing except your own understanding.
"""

import jax, jax.numpy as jnp
import numpy as np

N = 10000
E = 320000
D = 128
H = 128
OUT = 10
G = 16


def setup_inputs(seed: int = 0) -> dict:
    key = jax.random.key(seed)
    ks = jax.random.split(key, 12)
    x = jax.random.normal(ks[0], (N, D), dtype=jnp.float32)
    edge_index = jax.random.randint(ks[1], (2, E), 0, N)
    batch = jnp.sort(jax.random.randint(ks[2], (N,), 0, G))
    W1 = jax.random.normal(ks[3], (D, H), dtype=jnp.float32) * (1.0 / np.sqrt(D))
    b1 = jnp.zeros((H,), dtype=jnp.float32)
    W2 = jax.random.normal(ks[4], (H, H), dtype=jnp.float32) * (1.0 / np.sqrt(H))
    b2 = jnp.zeros((H,), dtype=jnp.float32)
    fc1_W = jax.random.normal(ks[5], (H, H), dtype=jnp.float32) * (1.0 / np.sqrt(H))
    fc1_b = jnp.zeros((H,), dtype=jnp.float32)
    fc2_W = jax.random.normal(ks[6], (H, OUT), dtype=jnp.float32) * (1.0 / np.sqrt(H))
    fc2_b = jnp.zeros((OUT,), dtype=jnp.float32)
    return {"x": x, "edge_index": edge_index, "batch": batch,
            "W1": W1, "b1": b1, "W2": W2, "b2": b2,
            "fc1_W": fc1_W, "fc1_b": fc1_b, "fc2_W": fc2_W, "fc2_b": fc2_b}


def _gcn_conv(x, edge_index, W, b):
    # GCNConv: x' = D^{-1/2} (A + I) D^{-1/2} (X W) + b
    num_nodes = x.shape[0]
    loop = jnp.arange(num_nodes, dtype=edge_index.dtype)
    src = jnp.concatenate([edge_index[0], loop])
    dst = jnp.concatenate([edge_index[1], loop])
    ones = jnp.ones(src.shape[0], dtype=x.dtype)
    deg = jnp.zeros((num_nodes,), dtype=x.dtype).at[dst].add(ones)
    dinv = jax.lax.rsqrt(jnp.maximum(deg, 1.0))
    norm = dinv[src] * dinv[dst]
    h = x @ W
    msg = h[src] * norm[:, None]
    agg = jnp.zeros_like(h).at[dst].add(msg)
    return agg + b


def reference(x, edge_index, batch, W1, b1, W2, b2, fc1_W, fc1_b, fc2_W, fc2_b):
    h = jax.nn.relu(_gcn_conv(x, edge_index, W1, b1))
    h = jax.nn.relu(_gcn_conv(h, edge_index, W2, b2))
    sums = jax.ops.segment_sum(h, batch, num_segments=G)
    cnts = jax.ops.segment_sum(jnp.ones((h.shape[0],), dtype=h.dtype), batch, num_segments=G)
    pooled = sums / jnp.maximum(cnts, 1.0)[:, None]
    h = jax.nn.relu(pooled @ fc1_W + fc1_b)
    logits = h @ fc2_W + fc2_b
    return jax.nn.softmax(logits, axis=1)

if __name__ == "__main__":
    import jax
    _d = setup_inputs()
    print(jax.jit(kernel)(*tuple(_d.values())))

</pallas_src>

<mosaic_0001>
#map = affine_map<(d0, d1) -> (0, 0, 0)>
#map1 = affine_map<(d0, d1) -> (0, 0)>
module attributes {stable_mosaic.version = 14 : i64} {
  func.func @deg_kernel(%arg0: i32, %arg1: i32, %arg2: memref<32x105x96xi32, #tpu.memory_space<hbm>>, %arg3: memref<96x128xf32, #tpu.memory_space<hbm>>, %arg4: memref<640x128xf32, #tpu.memory_space<hbm>>, %arg5: memref<2x10240x128xf32, #tpu.memory_space<hbm>>, %arg6: memref<105x96xi32, #tpu.memory_space<vmem>>, %arg7: memref<96x128xf32, #tpu.memory_space<vmem>>, %arg8: memref<10240x128xf32, #tpu.memory_space<vmem_shared>>, %arg9: memref<!tpu.dma_semaphore, #tpu.memory_space<semaphore_mem>>) attributes {dimension_semantics = [#tpu.dimension_semantics<core_parallel>, #tpu.dimension_semantics<subcore_parallel>], iteration_bounds = array<i64: 2, 16>, scalar_prefetch = 0 : i64, scratch_operands = 4 : i64, tpu.core_type = #tpu.core_type<sc_vector_subcore>, window_params = [{transform_indices = #map}, {transform_indices = #map1}, {transform_indices = #map1}, {transform_indices = #map}]} {
    %mul3A = arith.constant 16 : i32
    %mul3A_0 = arith.muli %arg0, %mul3A : i32
    %add3A = arith.addi %mul3A_0, %arg1 : i32
    "tpu.region"() ({
      %run_scoped3A = tpu.sem_alloc : memref<!tpu.dma_semaphore, #tpu.memory_space<semaphore_mem>>
      tpu.enqueue_dma source(%arg3 : memref<96x128xf32, #tpu.memory_space<hbm>>) target(%arg7 : memref<96x128xf32, #tpu.memory_space<vmem>>) target_semaphore(%run_scoped3A : memref<!tpu.dma_semaphore, #tpu.memory_space<semaphore_mem>>)
      tpu.wait_dma2 semaphore(%run_scoped3A : memref<!tpu.dma_semaphore, #tpu.memory_space<semaphore_mem>>) src(%arg3 : memref<96x128xf32, #tpu.memory_space<hbm>>) dst(%arg7 : memref<96x128xf32, #tpu.memory_space<vmem>>)
      tpu.yield
    }) : () -> ()
    "tpu.region"() ({
      %run_scoped3A = tpu.sem_alloc : memref<!tpu.dma_semaphore, #tpu.memory_space<semaphore_mem>>
      %dma_start3A = arith.constant 0 : i32
      %dma_start3A_19 = arith.constant 0 : i32
      %dma_start3A_20 = tpu.memref_slice %arg2[%add3A, %dma_start3A, %dma_start3A_19] : memref<32x105x96xi32, #tpu.memory_space<hbm>> -> memref<1x105x96xi32, #tpu.memory_space<hbm>>
      %dma_start3A_21 = tpu.memref_squeeze %dma_start3A_20 : memref<1x105x96xi32, #tpu.memory_space<hbm>> -> memref<105x96xi32, #tpu.memory_space<hbm>>
      %dma_start3A_22 = arith.constant 0 : i32
      %dma_start3A_23 = arith.constant 0 : i32
      %dma_start3A_24 = tpu.memref_slice %arg2[%add3A, %dma_start3A_22, %dma_start3A_23] : memref<32x105x96xi32, #tpu.memory_space<hbm>> -> memref<1x105x96xi32, #tpu.memory_space<hbm>>
      %dma_start3A_25 = tpu.memref_squeeze %dma_start3A_24 : memref<1x105x96xi32, #tpu.memory_space<hbm>> -> memref<105x96xi32, #tpu.memory_space<hbm>>
      tpu.enqueue_dma source(%dma_start3A_25 : memref<105x96xi32, #tpu.memory_space<hbm>>) target(%arg6 : memref<105x96xi32, #tpu.memory_space<vmem>>) target_semaphore(%run_scoped3A : memref<!tpu.dma_semaphore, #tpu.memory_space<semaphore_mem>>)
      %dma_wait3A = arith.constant 0 : i32
      %dma_wait3A_26 = arith.constant 0 : i32
      %dma_wait3A_27 = tpu.memref_slice %arg2[%add3A, %dma_wait3A, %dma_wait3A_26] : memref<32x105x96xi32, #tpu.memory_space<hbm>> -> memref<1x105x96xi32, #tpu.memory_space<hbm>>
      %dma_wait3A_28 = tpu.memref_squeeze %dma_wait3A_27 : memref<1x105x96xi32, #tpu.memory_space<hbm>> -> memref<105x96xi32, #tpu.memory_space<hbm>>
      %dma_wait3A_29 = arith.constant 0 : i32
      %dma_wait3A_30 = arith.constant 0 : i32
      %dma_wait3A_31 = tpu.memref_slice %arg2[%add3A, %dma_wait3A_29, %dma_wait3A_30] : memref<32x105x96xi32, #tpu.memory_space<hbm>> -> memref<1x105x96xi32, #tpu.memory_space<hbm>>
      %dma_wait3A_32 = tpu.memref_squeeze %dma_wait3A_31 : memref<1x105x96xi32, #tpu.memory_space<hbm>> -> memref<105x96xi32, #tpu.memory_space<hbm>>
      tpu.wait_dma2 semaphore(%run_scoped3A : memref<!tpu.dma_semaphore, #tpu.memory_space<semaphore_mem>>) src(%dma_wait3A_32 : memref<105x96xi32, #tpu.memory_space<hbm>>) dst(%arg6 : memref<105x96xi32, #tpu.memory_space<vmem>>)
      tpu.yield
    }) : () -> ()
    %mul3A_1 = arith.constant 640 : i32
    %mul3A_2 = arith.muli %arg1, %mul3A_1 : i32
    "tpu.region"() ({
      %run_scoped3A = tpu.sem_alloc : memref<!tpu.dma_semaphore, #tpu.memory_space<semaphore_mem>>
      %dma_start3A = arith.constant 0 : i32
      %dma_start3A_19 = tpu.memref_slice %arg8[%mul3A_2, %dma_start3A] : memref<10240x128xf32, #tpu.memory_space<vmem_shared>> -> memref<640x128xf32, #tpu.memory_space<vmem_shared>>
      tpu.enqueue_dma source(%arg4 : memref<640x128xf32, #tpu.memory_space<hbm>>) target(%dma_start3A_19 : memref<640x128xf32, #tpu.memory_space<vmem_shared>>) target_semaphore(%run_scoped3A : memref<!tpu.dma_semaphore, #tpu.memory_space<semaphore_mem>>)
      %dma_wait3A = arith.constant 0 : i32
      %dma_wait3A_20 = tpu.memref_slice %arg8[%mul3A_2, %dma_wait3A] : memref<10240x128xf32, #tpu.memory_space<vmem_shared>> -> memref<640x128xf32, #tpu.memory_space<vmem_shared>>
      tpu.wait_dma2 semaphore(%run_scoped3A : memref<!tpu.dma_semaphore, #tpu.memory_space<semaphore_mem>>) src(%arg4 : memref<640x128xf32, #tpu.memory_space<hbm>>) dst(%dma_wait3A_20 : memref<640x128xf32, #tpu.memory_space<vmem_shared>>)
      tpu.yield
    }) : () -> ()
    %barrier3A = arith.constant 0 : index
    tpu.barrier barrier_id(%barrier3A)
    %scan3A = arith.constant 0 : i32
    %scan3A_3 = arith.constant 0 : i32
    %scan3A_4 = arith.constant 105 : i32
    %scan3A_5 = arith.addi %scan3A_3, %scan3A_4 : i32
    %scan3A_6 = arith.constant 1 : i32
    scf.for %scan3A_19 = %scan3A_3 to %scan3A_5 step %scan3A_6  : i32 {
      %dma_start3A = arith.constant 0 : i32
      %dma_start3A_20 = tpu.memref_slice %arg6[%scan3A_19, %dma_start3A] : memref<105x96xi32, #tpu.memory_space<vmem>> -> memref<1x96xi32, #tpu.memory_space<vmem>>
      %dma_start3A_21 = tpu.memref_squeeze %dma_start3A_20 : memref<1x96xi32, #tpu.memory_space<vmem>> -> memref<96xi32, #tpu.memory_space<vmem>>
      %dma_start3A_22 = arith.constant 0 : i32
      %dma_start3A_23 = arith.constant 0 : i32
      %dma_start3A_24 = tpu.memref_slice %arg8[%dma_start3A_22, %dma_start3A_23] : memref<10240x128xf32, #tpu.memory_space<vmem_shared>> -> memref<10240x128xf32, #tpu.memory_space<vmem_shared>>
      tpu.enqueue_indirect_dma source(%arg7 : memref<96x128xf32, #tpu.memory_space<vmem>>) target(%dma_start3A_24 : memref<10240x128xf32, #tpu.memory_space<vmem_shared>>) offsets(%dma_start3A_21 : memref<96xi32, #tpu.memory_space<vmem>>) semaphore(%arg9 : memref<!tpu.dma_semaphore, #tpu.memory_space<semaphore_mem>>) {add = true}
    }
    %scan3A_7 = arith.constant 105 : i32
    %scan3A_8 = arith.constant 0 : i32
    %scan3A_9 = arith.constant 0 : i32
    %scan3A_10 = arith.constant 105 : i32
    %scan3A_11 = arith.addi %scan3A_9, %scan3A_10 : i32
    %scan3A_12 = arith.constant 1 : i32
    scf.for %scan3A_19 = %scan3A_9 to %scan3A_11 step %scan3A_12  : i32 {
      %dma_wait3A = arith.constant 0 : i32
      %dma_wait3A_20 = tpu.memref_slice %arg6[%scan3A_19, %dma_wait3A] : memref<105x96xi32, #tpu.memory_space<vmem>> -> memref<1x96xi32, #tpu.memory_space<vmem>>
      %dma_wait3A_21 = tpu.memref_squeeze %dma_wait3A_20 : memref<1x96xi32, #tpu.memory_space<vmem>> -> memref<96xi32, #tpu.memory_space<vmem>>
      %dma_wait3A_22 = arith.constant 0 : i32
      %dma_wait3A_23 = arith.constant 0 : i32
      %dma_wait3A_24 = tpu.memref_slice %arg8[%dma_wait3A_22, %dma_wait3A_23] : memref<10240x128xf32, #tpu.memory_space<vmem_shared>> -> memref<10240x128xf32, #tpu.memory_space<vmem_shared>>
      tpu.wait_indirect_dma semaphore(%arg9 : memref<!tpu.dma_semaphore, #tpu.memory_space<semaphore_mem>>) src(%arg7 : memref<96x128xf32, #tpu.memory_space<vmem>>) dst(%dma_wait3A_24 : memref<10240x128xf32, #tpu.memory_space<vmem_shared>>)
    }
    %scan3A_13 = arith.constant 105 : i32
    %barrier3A_14 = arith.constant 0 : index
    tpu.barrier barrier_id(%barrier3A_14)
    %mul3A_15 = arith.constant 640 : i32
    %mul3A_16 = arith.muli %arg1, %mul3A_15 : i32
    %mul3A_17 = arith.constant 640 : i32
    %mul3A_18 = arith.muli %arg1, %mul3A_17 : i32
    "tpu.region"() ({
      %run_scoped3A = tpu.sem_alloc : memref<!tpu.dma_semaphore, #tpu.memory_space<semaphore_mem>>
      %dma_start3A = arith.constant 0 : i32
      %dma_start3A_19 = tpu.memref_slice %arg5[%arg0, %mul3A_18, %dma_start3A] : memref<2x10240x128xf32, #tpu.memory_space<hbm>> -> memref<1x640x128xf32, #tpu.memory_space<hbm>>
      %dma_start3A_20 = tpu.memref_squeeze %dma_start3A_19 : memref<1x640x128xf32, #tpu.memory_space<hbm>> -> memref<640x128xf32, #tpu.memory_space<hbm>>
      %dma_start3A_21 = arith.constant 0 : i32
      %dma_start3A_22 = tpu.memref_slice %arg8[%mul3A_16, %dma_start3A_21] : memref<10240x128xf32, #tpu.memory_space<vmem_shared>> -> memref<640x128xf32, #tpu.memory_space<vmem_shared>>
      tpu.enqueue_dma source(%dma_start3A_22 : memref<640x128xf32, #tpu.memory_space<vmem_shared>>) target(%dma_start3A_20 : memref<640x128xf32, #tpu.memory_space<hbm>>) target_semaphore(%run_scoped3A : memref<!tpu.dma_semaphore, #tpu.memory_space<semaphore_mem>>)
      %dma_wait3A = arith.constant 0 : i32
      %dma_wait3A_23 = tpu.memref_slice %arg5[%arg0, %mul3A_18, %dma_wait3A] : memref<2x10240x128xf32, #tpu.memory_space<hbm>> -> memref<1x640x128xf32, #tpu.memory_space<hbm>>
      %dma_wait3A_24 = tpu.memref_squeeze %dma_wait3A_23 : memref<1x640x128xf32, #tpu.memory_space<hbm>> -> memref<640x128xf32, #tpu.memory_space<hbm>>
      %dma_wait3A_25 = arith.constant 0 : i32
      %dma_wait3A_26 = tpu.memref_slice %arg8[%mul3A_16, %dma_wait3A_25] : memref<10240x128xf32, #tpu.memory_space<vmem_shared>> -> memref<640x128xf32, #tpu.memory_space<vmem_shared>>
      tpu.wait_dma2 semaphore(%run_scoped3A : memref<!tpu.dma_semaphore, #tpu.memory_space<semaphore_mem>>) src(%dma_wait3A_26 : memref<640x128xf32, #tpu.memory_space<vmem_shared>>) dst(%dma_wait3A_24 : memref<640x128xf32, #tpu.memory_space<hbm>>)
      tpu.yield
    }) : () -> ()
    return
  }
}

#map = affine_map<(d0, d1) -> (0, 0, 0, 0)>
#map1 = affine_map<(d0, d1) -> (0, 0)>
#map2 = affine_map<(d0, d1) -> (0, 0, 0)>
module attributes {stable_mosaic.version = 14 : i64} {
  func.func @edge_kernel(%arg0: i32, %arg1: i32, %arg2: memref<32x105x2x96xi32, #tpu.memory_space<hbm>>, %arg3: memref<10000x128xf32, #tpu.memory_space<hbm>>, %arg4: memref<640x128xf32, #tpu.memory_space<hbm>>, %arg5: memref<2x10240x128xf32, #tpu.memory_space<hbm>>, %arg6: memref<2x96xi32, #tpu.memory_space<vmem>>, %arg7: memref<2x96xi32, #tpu.memory_space<vmem>>, %arg8: memref<2x96xi32, #tpu.memory_space<vmem>>, %arg9: memref<96x128xf32, #tpu.memory_space<vmem>>, %arg10: memref<96x128xf32, #tpu.memory_space<vmem>>, %arg11: memref<96x128xf32, #tpu.memory_space<vmem>>, %arg12: memref<10240x128xf32, #tpu.memory_space<vmem_shared>>, %arg13: memref<!tpu.dma_semaphore, #tpu.memory_space<semaphore_mem>>, %arg14: memref<!tpu.dma_semaphore, #tpu.memory_space<semaphore_mem>>, %arg15: memref<!tpu.dma_semaphore, #tpu.memory_space<semaphore_mem>>, %arg16: memref<!tpu.dma_semaphore, #tpu.memory_space<semaphore_mem>>, %arg17: memref<!tpu.dma_semaphore, #tpu.memory_space<semaphore_mem>>, %arg18: memref<!tpu.dma_semaphore, #tpu.memory_space<semaphore_mem>>) attributes {dimension_semantics = [#tpu.dimension_semantics<core_parallel>, #tpu.dimension_semantics<subcore_parallel>], iteration_bounds = array<i64: 2, 16>, scalar_prefetch = 0 : i64, scratch_operands = 13 : i64, tpu.core_type = #tpu.core_type<sc_vector_subcore>, window_params = [{transform_indices = #map}, {transform_indices = #map1}, {transform_indices = #map1}, {transform_indices = #map2}]} {
    %mul3A = arith.constant 16 : i32
    %mul3A_0 = arith.muli %arg0, %mul3A : i32
    %add3A = arith.addi %mul3A_0, %arg1 : i32
    %mul3A_1 = arith.constant 640 : i32
    %mul3A_2 = arith.muli %arg1, %mul3A_1 : i32
    "tpu.region"() ({
      %run_scoped3A_35 = tpu.sem_alloc : memref<!tpu.dma_semaphore, #tpu.memory_space<semaphore_mem>>
      %dma_start3A_36 = arith.constant 0 : i32
      %dma_start3A_37 = tpu.memref_slice %arg12[%mul3A_2, %dma_start3A_36] : memref<10240x128xf32, #tpu.memory_space<vmem_shared>> -> memref<640x128xf32, #tpu.memory_space<vmem_shared>>
      tpu.enqueue_dma source(%arg4 : memref<640x128xf32, #tpu.memory_space<hbm>>) target(%dma_start3A_37 : memref<640x128xf32, #tpu.memory_space<vmem_shared>>) target_semaphore(%run_scoped3A_35 : memref<!tpu.dma_semaphore, #tpu.memory_space<semaphore_mem>>)
      %dma_wait3A = arith.constant 0 : i32
      %dma_wait3A_38 = tpu.memref_slice %arg12[%mul3A_2, %dma_wait3A] : memref<10240x128xf32, #tpu.memory_space<vmem_shared>> -> memref<640x128xf32, #tpu.memory_space<vmem_shared>>
      tpu.wait_dma2 semaphore(%run_scoped3A_35 : memref<!tpu.dma_semaphore, #tpu.memory_space<semaphore_mem>>) src(%arg4 : memref<640x128xf32, #tpu.memory_space<hbm>>) dst(%dma_wait3A_38 : memref<640x128xf32, #tpu.memory_space<vmem_shared>>)
      tpu.yield
    }) : () -> ()
    %barrier3A = arith.constant 0 : index
    tpu.barrier barrier_id(%barrier3A)
    %run_scoped3A = arith.constant 0 : i32
    "tpu.region"() ({
      %run_scoped3A_35 = tpu.sem_alloc : memref<!tpu.dma_semaphore, #tpu.memory_space<semaphore_mem>>
      %dma_start3A_36 = arith.constant 0 : i32
      %dma_start3A_37 = arith.constant 0 : i32
      %dma_start3A_38 = tpu.memref_slice %arg2[%add3A, %run_scoped3A, %dma_start3A_36, %dma_start3A_37] : memref<32x105x2x96xi32, #tpu.memory_space<hbm>> -> memref<1x1x2x96xi32, #tpu.memory_space<hbm>>
      %dma_start3A_39 = tpu.memref_squeeze %dma_start3A_38 : memref<1x1x2x96xi32, #tpu.memory_space<hbm>> -> memref<2x96xi32, #tpu.memory_space<hbm>>
      %dma_start3A_40 = arith.constant 0 : i32
      %dma_start3A_41 = arith.constant 0 : i32
      %dma_start3A_42 = tpu.memref_slice %arg2[%add3A, %run_scoped3A, %dma_start3A_40, %dma_start3A_41] : memref<32x105x2x96xi32, #tpu.memory_space<hbm>> -> memref<1x1x2x96xi32, #tpu.memory_space<hbm>>
      %dma_start3A_43 = tpu.memref_squeeze %dma_start3A_42 : memref<1x1x2x96xi32, #tpu.memory_space<hbm>> -> memref<2x96xi32, #tpu.memory_space<hbm>>
      tpu.enqueue_dma source(%dma_start3A_43 : memref<2x96xi32, #tpu.memory_space<hbm>>) target(%arg6 : memref<2x96xi32, #tpu.memory_space<vmem>>) target_semaphore(%run_scoped3A_35 : memref<!tpu.dma_semaphore, #tpu.memory_space<semaphore_mem>>)
      %dma_wait3A = arith.constant 0 : i32
      %dma_wait3A_44 = arith.constant 0 : i32
      %dma_wait3A_45 = tpu.memref_slice %arg2[%add3A, %run_scoped3A, %dma_wait3A, %dma_wait3A_44] : memref<32x105x2x96xi32, #tpu.memory_space<hbm>> -> memref<1x1x2x96xi32, #tpu.memory_space<hbm>>
      %dma_wait3A_46 = tpu.memref_squeeze %dma_wait3A_45 : memref<1x1x2x96xi32, #tpu.memory_space<hbm>> -> memref<2x96xi32, #tpu.memory_space<hbm>>
      %dma_wait3A_47 = arith.constant 0 : i32
      %dma_wait3A_48 = arith.constant 0 : i32
      %dma_wait3A_49 = tpu.memref_slice %arg2[%add3A, %run_scoped3A, %dma_wait3A_47, %dma_wait3A_48] : memref<32x105x2x96xi32, #tpu.memory_space<hbm>> -> memref<1x1x2x96xi32, #tpu.memory_space<hbm>>
      %dma_wait3A_50 = tpu.memref_squeeze %dma_wait3A_49 : memref<1x1x2x96xi32, #tpu.memory_space<hbm>> -> memref<2x96xi32, #tpu.memory_space<hbm>>
      tpu.wait_dma2 semaphore(%run_scoped3A_35 : memref<!tpu.dma_semaphore, #tpu.memory_space<semaphore_mem>>) src(%dma_wait3A_50 : memref<2x96xi32, #tpu.memory_space<hbm>>) dst(%arg6 : memref<2x96xi32, #tpu.memory_space<vmem>>)
      tpu.yield
    }) : () -> ()
    %dma_start3A = arith.constant 0 : i32
    %dma_start3A_3 = arith.constant 0 : i32
    %dma_start3A_4 = tpu.memref_slice %arg6[%dma_start3A, %dma_start3A_3] : memref<2x96xi32, #tpu.memory_space<vmem>> -> memref<1x96xi32, #tpu.memory_space<vmem>>
    %dma_start3A_5 = tpu.memref_squeeze %dma_start3A_4 : memref<1x96xi32, #tpu.memory_space<vmem>> -> memref<96xi32, #tpu.memory_space<vmem>>
    %dma_start3A_6 = arith.constant 0 : i32
    %dma_start3A_7 = arith.constant 0 : i32
    %dma_start3A_8 = tpu.memref_slice %arg3[%dma_start3A_6, %dma_start3A_7] : memref<10000x128xf32, #tpu.memory_space<hbm>> -> memref<10000x128xf32, #tpu.memory_space<hbm>>
    tpu.enqueue_indirect_dma source(%dma_start3A_8 : memref<10000x128xf32, #tpu.memory_space<hbm>>) target(%arg9 : memref<96x128xf32, #tpu.memory_space<vmem>>) offsets(%dma_start3A_5 : memref<96xi32, #tpu.memory_space<vmem>>) semaphore(%arg13 : memref<!tpu.dma_semaphore, #tpu.memory_space<semaphore_mem>>)
    %run_scoped3A_9 = arith.constant 1 : i32
    "tpu.region"() ({
      %run_scoped3A_35 = tpu.sem_alloc : memref<!tpu.dma_semaphore, #tpu.memory_space<semaphore_mem>>
      %dma_start3A_36 = arith.constant 0 : i32
      %dma_start3A_37 = arith.constant 0 : i32
      %dma_start3A_38 = tpu.memref_slice %arg2[%add3A, %run_scoped3A_9, %dma_start3A_36, %dma_start3A_37] : memref<32x105x2x96xi32, #tpu.memory_space<hbm>> -> memref<1x1x2x96xi32, #tpu.memory_space<hbm>>
      %dma_start3A_39 = tpu.memref_squeeze %dma_start3A_38 : memref<1x1x2x96xi32, #tpu.memory_space<hbm>> -> memref<2x96xi32, #tpu.memory_space<hbm>>
      %dma_start3A_40 = arith.constant 0 : i32
      %dma_start3A_41 = arith.constant 0 : i32
      %dma_start3A_42 = tpu.memref_slice %arg2[%add3A, %run_scoped3A_9, %dma_start3A_40, %dma_start3A_41] : memref<32x105x2x96xi32, #tpu.memory_space<hbm>> -> memref<1x1x2x96xi32, #tpu.memory_space<hbm>>
      %dma_start3A_43 = tpu.memref_squeeze %dma_start3A_42 : memref<1x1x2x96xi32, #tpu.memory_space<hbm>> -> memref<2x96xi32, #tpu.memory_space<hbm>>
      tpu.enqueue_dma source(%dma_start3A_43 : memref<2x96xi32, #tpu.memory_space<hbm>>) target(%arg7 : memref<2x96xi32, #tpu.memory_space<vmem>>) target_semaphore(%run_scoped3A_35 : memref<!tpu.dma_semaphore, #tpu.memory_space<semaphore_mem>>)
      %dma_wait3A = arith.constant 0 : i32
      %dma_wait3A_44 = arith.constant 0 : i32
      %dma_wait3A_45 = tpu.memref_slice %arg2[%add3A, %run_scoped3A_9, %dma_wait3A, %dma_wait3A_44] : memref<32x105x2x96xi32, #tpu.memory_space<hbm>> -> memref<1x1x2x96xi32, #tpu.memory_space<hbm>>
      %dma_wait3A_46 = tpu.memref_squeeze %dma_wait3A_45 : memref<1x1x2x96xi32, #tpu.memory_space<hbm>> -> memref<2x96xi32, #tpu.memory_space<hbm>>
      %dma_wait3A_47 = arith.constant 0 : i32
      %dma_wait3A_48 = arith.constant 0 : i32
      %dma_wait3A_49 = tpu.memref_slice %arg2[%add3A, %run_scoped3A_9, %dma_wait3A_47, %dma_wait3A_48] : memref<32x105x2x96xi32, #tpu.memory_space<hbm>> -> memref<1x1x2x96xi32, #tpu.memory_space<hbm>>
      %dma_wait3A_50 = tpu.memref_squeeze %dma_wait3A_49 : memref<1x1x2x96xi32, #tpu.memory_space<hbm>> -> memref<2x96xi32, #tpu.memory_space<hbm>>
      tpu.wait_dma2 semaphore(%run_scoped3A_35 : memref<!tpu.dma_semaphore, #tpu.memory_space<semaphore_mem>>) src(%dma_wait3A_50 : memref<2x96xi32, #tpu.memory_space<hbm>>) dst(%arg7 : memref<2x96xi32, #tpu.memory_space<vmem>>)
      tpu.yield
    }) : () -> ()
    %dma_start3A_10 = arith.constant 0 : i32
    %dma_start3A_11 = arith.constant 0 : i32
    %dma_start3A_12 = tpu.memref_slice %arg7[%dma_start3A_10, %dma_start3A_11] : memref<2x96xi32, #tpu.memory_space<vmem>> -> memref<1x96xi32, #tpu.memory_space<vmem>>
    %dma_start3A_13 = tpu.memref_squeeze %dma_start3A_12 : memref<1x96xi32, #tpu.memory_space<vmem>> -> memref<96xi32, #tpu.memory_space<vmem>>
    %dma_start3A_14 = arith.constant 0 : i32
    %dma_start3A_15 = arith.constant 0 : i32
    %dma_start3A_16 = tpu.memref_slice %arg3[%dma_start3A_14, %dma_start3A_15] : memref<10000x128xf32, #tpu.memory_space<hbm>> -> memref<10000x128xf32, #tpu.memory_space<hbm>>
    tpu.enqueue_indirect_dma source(%dma_start3A_16 : memref<10000x128xf32, #tpu.memory_space<hbm>>) target(%arg10 : memref<96x128xf32, #tpu.memory_space<vmem>>) offsets(%dma_start3A_13 : memref<96xi32, #tpu.memory_space<vmem>>) semaphore(%arg14 : memref<!tpu.dma_semaphore, #tpu.memory_space<semaphore_mem>>)
    %run_scoped3A_17 = arith.constant 2 : i32
    "tpu.region"() ({
      %run_scoped3A_35 = tpu.sem_alloc : memref<!tpu.dma_semaphore, #tpu.memory_space<semaphore_mem>>
      %dma_start3A_36 = arith.constant 0 : i32
      %dma_start3A_37 = arith.constant 0 : i32
      %dma_start3A_38 = tpu.memref_slice %arg2[%add3A, %run_scoped3A_17, %dma_start3A_36, %dma_start3A_37] : memref<32x105x2x96xi32, #tpu.memory_space<hbm>> -> memref<1x1x2x96xi32, #tpu.memory_space<hbm>>
      %dma_start3A_39 = tpu.memref_squeeze %dma_start3A_38 : memref<1x1x2x96xi32, #tpu.memory_space<hbm>> -> memref<2x96xi32, #tpu.memory_space<hbm>>
      %dma_start3A_40 = arith.constant 0 : i32
      %dma_start3A_41 = arith.constant 0 : i32
      %dma_start3A_42 = tpu.memref_slice %arg2[%add3A, %run_scoped3A_17, %dma_start3A_40, %dma_start3A_41] : memref<32x105x2x96xi32, #tpu.memory_space<hbm>> -> memref<1x1x2x96xi32, #tpu.memory_space<hbm>>
      %dma_start3A_43 = tpu.memref_squeeze %dma_start3A_42 : memref<1x1x2x96xi32, #tpu.memory_space<hbm>> -> memref<2x96xi32, #tpu.memory_space<hbm>>
      tpu.enqueue_dma source(%dma_start3A_43 : memref<2x96xi32, #tpu.memory_space<hbm>>) target(%arg8 : memref<2x96xi32, #tpu.memory_space<vmem>>) target_semaphore(%run_scoped3A_35 : memref<!tpu.dma_semaphore, #tpu.memory_space<semaphore_mem>>)
      %dma_wait3A = arith.constant 0 : i32
      %dma_wait3A_44 = arith.constant 0 : i32
      %dma_wait3A_45 = tpu.memref_slice %arg2[%add3A, %run_scoped3A_17, %dma_wait3A, %dma_wait3A_44] : memref<32x105x2x96xi32, #tpu.memory_space<hbm>> -> memref<1x1x2x96xi32, #tpu.memory_space<hbm>>
      %dma_wait3A_46 = tpu.memref_squeeze %dma_wait3A_45 : memref<1x1x2x96xi32, #tpu.memory_space<hbm>> -> memref<2x96xi32, #tpu.memory_space<hbm>>
      %dma_wait3A_47 = arith.constant 0 : i32
      %dma_wait3A_48 = arith.constant 0 : i32
      %dma_wait3A_49 = tpu.memref_slice %arg2[%add3A, %run_scoped3A_17, %dma_wait3A_47, %dma_wait3A_48] : memref<32x105x2x96xi32, #tpu.memory_space<hbm>> -> memref<1x1x2x96xi32, #tpu.memory_space<hbm>>
      %dma_wait3A_50 = tpu.memref_squeeze %dma_wait3A_49 : memref<1x1x2x96xi32, #tpu.memory_space<hbm>> -> memref<2x96xi32, #tpu.memory_space<hbm>>
      tpu.wait_dma2 semaphore(%run_scoped3A_35 : memref<!tpu.dma_semaphore, #tpu.memory_space<semaphore_mem>>) src(%dma_wait3A_50 : memref<2x96xi32, #tpu.memory_space<hbm>>) dst(%arg8 : memref<2x96xi32, #tpu.memory_space<vmem>>)
      tpu.yield
    }) : () -> ()
    %dma_start3A_18 = arith.constant 0 : i32
    %dma_start3A_19 = arith.constant 0 : i32
    %dma_start3A_20 = tpu.memref_slice %arg8[%dma_start3A_18, %dma_start3A_19] : memref<2x96xi32, #tpu.memory_space<vmem>> -> memref<1x96xi32, #tpu.memory_space<vmem>>
    %dma_start3A_21 = tpu.memref_squeeze %dma_start3A_20 : memref<1x96xi32, #tpu.memory_space<vmem>> -> memref<96xi32, #tpu.memory_space<vmem>>
    %dma_start3A_22 = arith.constant 0 : i32
    %dma_start3A_23 = arith.constant 0 : i32
    %dma_start3A_24 = tpu.memref_slice %arg3[%dma_start3A_22, %dma_start3A_23] : memref<10000x128xf32, #tpu.memory_space<hbm>> -> memref<10000x128xf32, #tpu.memory_space<hbm>>
    tpu.enqueue_indirect_dma source(%dma_start3A_24 : memref<10000x128xf32, #tpu.memory_space<hbm>>) target(%arg11 : memref<96x128xf32, #tpu.memory_space<vmem>>) offsets(%dma_start3A_21 : memref<96xi32, #tpu.memory_space<vmem>>) semaphore(%arg15 : memref<!tpu.dma_semaphore, #tpu.memory_space<semaphore_mem>>)
    %scan3A = arith.constant 0 : i32
    %scan3A_25 = arith.constant 0 : i32
    %scan3A_26 = arith.constant 35 : i32
    %scan3A_27 = arith.addi %scan3A_25, %scan3A_26 : i32
    %scan3A_28 = arith.constant 1 : i32
    scf.for %scan3A_35 = %scan3A_25 to %scan3A_27 step %scan3A_28  : i32 {
      %mul3A_36 = arith.constant 3 : i32
      %mul3A_37 = arith.muli %mul3A_36, %scan3A_35 : i32
      %dma_wait3A = arith.constant 0 : i32
      %dma_wait3A_38 = arith.constant 0 : i32
      %dma_wait3A_39 = tpu.memref_slice %arg6[%dma_wait3A, %dma_wait3A_38] : memref<2x96xi32, #tpu.memory_space<vmem>> -> memref<1x96xi32, #tpu.memory_space<vmem>>
      %dma_wait3A_40 = tpu.memref_squeeze %dma_wait3A_39 : memref<1x96xi32, #tpu.memory_space<vmem>> -> memref<96xi32, #tpu.memory_space<vmem>>
      %dma_wait3A_41 = arith.constant 0 : i32
      %dma_wait3A_42 = arith.constant 0 : i32
      %dma_wait3A_43 = tpu.memref_slice %arg3[%dma_wait3A_41, %dma_wait3A_42] : memref<10000x128xf32, #tpu.memory_space<hbm>> -> memref<10000x128xf32, #tpu.memory_space<hbm>>
      tpu.wait_indirect_dma semaphore(%arg13 : memref<!tpu.dma_semaphore, #tpu.memory_space<semaphore_mem>>) src(%dma_wait3A_43 : memref<10000x128xf32, #tpu.memory_space<hbm>>) dst(%arg9 : memref<96x128xf32, #tpu.memory_space<vmem>>)
      %dma_start3A_44 = arith.constant 1 : i32
      %dma_start3A_45 = arith.constant 0 : i32
      %dma_start3A_46 = tpu.memref_slice %arg6[%dma_start3A_44, %dma_start3A_45] : memref<2x96xi32, #tpu.memory_space<vmem>> -> memref<1x96xi32, #tpu.memory_space<vmem>>
      %dma_start3A_47 = tpu.memref_squeeze %dma_start3A_46 : memref<1x96xi32, #tpu.memory_space<vmem>> -> memref<96xi32, #tpu.memory_space<vmem>>
      %dma_start3A_48 = arith.constant 0 : i32
      %dma_start3A_49 = arith.constant 0 : i32
      %dma_start3A_50 = tpu.memref_slice %arg12[%dma_start3A_48, %dma_start3A_49] : memref<10240x128xf32, #tpu.memory_space<vmem_shared>> -> memref<10240x128xf32, #tpu.memory_space<vmem_shared>>
      tpu.enqueue_indirect_dma source(%arg9 : memref<96x128xf32, #tpu.memory_space<vmem>>) target(%dma_start3A_50 : memref<10240x128xf32, #tpu.memory_space<vmem_shared>>) offsets(%dma_start3A_47 : memref<96xi32, #tpu.memory_space<vmem>>) semaphore(%arg16 : memref<!tpu.dma_semaphore, #tpu.memory_space<semaphore_mem>>) {add = true}
      %dma_wait3A_51 = arith.constant 0 : i32
      %dma_wait3A_52 = arith.constant 0 : i32
      %dma_wait3A_53 = tpu.memref_slice %arg7[%dma_wait3A_51, %dma_wait3A_52] : memref<2x96xi32, #tpu.memory_space<vmem>> -> memref<1x96xi32, #tpu.memory_space<vmem>>
      %dma_wait3A_54 = tpu.memref_squeeze %dma_wait3A_53 : memref<1x96xi32, #tpu.memory_space<vmem>> -> memref<96xi32, #tpu.memory_space<vmem>>
      %dma_wait3A_55 = arith.constant 0 : i32
      %dma_wait3A_56 = arith.constant 0 : i32
      %dma_wait3A_57 = tpu.memref_slice %arg3[%dma_wait3A_55, %dma_wait3A_56] : memref<10000x128xf32, #tpu.memory_space<hbm>> -> memref<10000x128xf32, #tpu.memory_space<hbm>>
      tpu.wait_indirect_dma semaphore(%arg14 : memref<!tpu.dma_semaphore, #tpu.memory_space<semaphore_mem>>) src(%dma_wait3A_57 : memref<10000x128xf32, #tpu.memory_space<hbm>>) dst(%arg10 : memref<96x128xf32, #tpu.memory_space<vmem>>)
      %dma_start3A_58 = arith.constant 1 : i32
      %dma_start3A_59 = arith.constant 0 : i32
      %dma_start3A_60 = tpu.memref_slice %arg7[%dma_start3A_58, %dma_start3A_59] : memref<2x96xi32, #tpu.memory_space<vmem>> -> memref<1x96xi32, #tpu.memory_space<vmem>>
      %dma_start3A_61 = tpu.memref_squeeze %dma_start3A_60 : memref<1x96xi32, #tpu.memory_space<vmem>> -> memref<96xi32, #tpu.memory_space<vmem>>
      %dma_start3A_62 = arith.constant 0 : i32
      %dma_start3A_63 = arith.constant 0 : i32
      %dma_start3A_64 = tpu.memref_slice %arg12[%dma_start3A_62, %dma_start3A_63] : memref<10240x128xf32, #tpu.memory_space<vmem_shared>> -> memref<10240x128xf32, #tpu.memory_space<vmem_shared>>
      tpu.enqueue_indirect_dma source(%arg10 : memref<96x128xf32, #tpu.memory_space<vmem>>) target(%dma_start3A_64 : memref<10240x128xf32, #tpu.memory_space<vmem_shared>>) offsets(%dma_start3A_61 : memref<96xi32, #tpu.memory_space<vmem>>) semaphore(%arg17 : memref<!tpu.dma_semaphore, #tpu.memory_space<semaphore_mem>>) {add = true}
      %dma_wait3A_65 = arith.constant 0 : i32
      %dma_wait3A_66 = arith.constant 0 : i32
      %dma_wait3A_67 = tpu.memref_slice %arg8[%dma_wait3A_65, %dma_wait3A_66] : memref<2x96xi32, #tpu.memory_space<vmem>> -> memref<1x96xi32, #tpu.memory_space<vmem>>
      %dma_wait3A_68 = tpu.memref_squeeze %dma_wait3A_67 : memref<1x96xi32, #tpu.memory_space<vmem>> -> memref<96xi32, #tpu.memory_space<vmem>>
      %dma_wait3A_69 = arith.constant 0 : i32
      %dma_wait3A_70 = arith.constant 0 : i32
      %dma_wait3A_71 = tpu.memref_slice %arg3[%dma_wait3A_69, %dma_wait3A_70] : memref<10000x128xf32, #tpu.memory_space<hbm>> -> memref<10000x128xf32, #tpu.memory_space<hbm>>
      tpu.wait_indirect_dma semaphore(%arg15 : memref<!tpu.dma_semaphore, #tpu.memory_space<semaphore_mem>>) src(%dma_wait3A_71 : memref<10000x128xf32, #tpu.memory_space<hbm>>) dst(%arg11 : memref<96x128xf32, #tpu.memory_space<vmem>>)
      %dma_start3A_72 = arith.constant 1 : i32
      %dma_start3A_73 = arith.constant 0 : i32
      %dma_start3A_74 = tpu.memref_slice %arg8[%dma_start3A_72, %dma_start3A_73] : memref<2x96xi32, #tpu.memory_space<vmem>> -> memref<1x96xi32, #tpu.memory_space<vmem>>
      %dma_start3A_75 = tpu.memref_squeeze %dma_start3A_74 : memref<1x96xi32, #tpu.memory_space<vmem>> -> memref<96xi32, #tpu.memory_space<vmem>>
      %dma_start3A_76 = arith.constant 0 : i32
      %dma_start3A_77 = arith.constant 0 : i32
      %dma_start3A_78 = tpu.memref_slice %arg12[%dma_start3A_76, %dma_start3A_77] : memref<10240x128xf32, #tpu.memory_space<vmem_shared>> -> memref<10240x128xf32, #tpu.memory_space<vmem_shared>>
      tpu.enqueue_indirect_dma source(%arg11 : memref<96x128xf32, #tpu.memory_space<vmem>>) target(%dma_start3A_78 : memref<10240x128xf32, #tpu.memory_space<vmem_shared>>) offsets(%dma_start3A_75 : memref<96xi32, #tpu.memory_space<vmem>>) semaphore(%arg18 : memref<!tpu.dma_semaphore, #tpu.memory_space<semaphore_mem>>) {add = true}
      %dma_wait3A_79 = arith.constant 1 : i32
      %dma_wait3A_80 = arith.constant 0 : i32
      %dma_wait3A_81 = tpu.memref_slice %arg6[%dma_wait3A_79, %dma_wait3A_80] : memref<2x96xi32, #tpu.memory_space<vmem>> -> memref<1x96xi32, #tpu.memory_space<vmem>>
      %dma_wait3A_82 = tpu.memref_squeeze %dma_wait3A_81 : memref<1x96xi32, #tpu.memory_space<vmem>> -> memref<96xi32, #tpu.memory_space<vmem>>
      %dma_wait3A_83 = arith.constant 0 : i32
      %dma_wait3A_84 = arith.constant 0 : i32
      %dma_wait3A_85 = tpu.memref_slice %arg12[%dma_wait3A_83, %dma_wait3A_84] : memref<10240x128xf32, #tpu.memory_space<vmem_shared>> -> memref<10240x128xf32, #tpu.memory_space<vmem_shared>>
      tpu.wait_indirect_dma semaphore(%arg16 : memref<!tpu.dma_semaphore, #tpu.memory_space<semaphore_mem>>) src(%arg9 : memref<96x128xf32, #tpu.memory_space<vmem>>) dst(%dma_wait3A_85 : memref<10240x128xf32, #tpu.memory_space<vmem_shared>>)
      %add3A_86 = arith.constant 3 : i32
      %add3A_87 = arith.addi %mul3A_37, %add3A_86 : i32
      %add3A_88 = arith.constant 0 : i32
      %add3A_89 = arith.addi %add3A_87, %add3A_88 : i32
      %lt3A = arith.constant 105 : i32
      %lt3A_90 = arith.cmpi slt, %add3A_89, %lt3A : i32
      %convert_element_type3A = arith.extui %lt3A_90 : i1 to i32
      %cond3A = arith.constant 0 : i32
      %cond3A_91 = arith.cmpi ne, %convert_element_type3A, %cond3A : i32
      scf.if %cond3A_91 {
        %add3A_124 = arith.constant 3 : i32
        %add3A_125 = arith.addi %mul3A_37, %add3A_124 : i32
        %add3A_126 = arith.constant 0 : i32
        %add3A_127 = arith.addi %add3A_125, %add3A_126 : i32
        "tpu.region"() ({
          %run_scoped3A_135 = tpu.sem_alloc : memref<!tpu.dma_semaphore, #tpu.memory_space<semaphore_mem>>
          %dma_start3A_136 = arith.constant 0 : i32
          %dma_start3A_137 = arith.constant 0 : i32
          %dma_start3A_138 = tpu.memref_slice %arg2[%add3A, %add3A_127, %dma_start3A_136, %dma_start3A_137] : memref<32x105x2x96xi32, #tpu.memory_space<hbm>> -> memref<1x1x2x96xi32, #tpu.memory_space<hbm>>
          %dma_start3A_139 = tpu.memref_squeeze %dma_start3A_138 : memref<1x1x2x96xi32, #tpu.memory_space<hbm>> -> memref<2x96xi32, #tpu.memory_space<hbm>>
          %dma_start3A_140 = arith.constant 0 : i32
          %dma_start3A_141 = arith.constant 0 : i32
          %dma_start3A_142 = tpu.memref_slice %arg2[%add3A, %add3A_127, %dma_start3A_140, %dma_start3A_141] : memref<32x105x2x96xi32, #tpu.memory_space<hbm>> -> memref<1x1x2x96xi32, #tpu.memory_space<hbm>>
          %dma_start3A_143 = tpu.memref_squeeze %dma_start3A_142 : memref<1x1x2x96xi32, #tpu.memory_space<hbm>> -> memref<2x96xi32, #tpu.memory_space<hbm>>
          tpu.enqueue_dma source(%dma_start3A_143 : memref<2x96xi32, #tpu.memory_space<hbm>>) target(%arg6 : memref<2x96xi32, #tpu.memory_space<vmem>>) target_semaphore(%run_scoped3A_135 : memref<!tpu.dma_semaphore, #tpu.memory_space<semaphore_mem>>)
          %dma_wait3A_144 = arith.constant 0 : i32
          %dma_wait3A_145 = arith.constant 0 : i32
          %dma_wait3A_146 = tpu.memref_slice %arg2[%add3A, %add3A_127, %dma_wait3A_144, %dma_wait3A_145] : memref<32x105x2x96xi32, #tpu.memory_space<hbm>> -> memref<1x1x2x96xi32, #tpu.memory_space<hbm>>
          %dma_wait3A_147 = tpu.memref_squeeze %dma_wait3A_146 : memref<1x1x2x96xi32, #tpu.memory_space<hbm>> -> memref<2x96xi32, #tpu.memory_space<hbm>>
          %dma_wait3A_148 = arith.constant 0 : i32
          %dma_wait3A_149 = arith.constant 0 : i32
          %dma_wait3A_150 = tpu.memref_slice %arg2[%add3A, %add3A_127, %dma_wait3A_148, %dma_wait3A_149] : memref<32x105x2x96xi32, #tpu.memory_space<hbm>> -> memref<1x1x2x96xi32, #tpu.memory_space<hbm>>
          %dma_wait3A_151 = tpu.memref_squeeze %dma_wait3A_150 : memref<1x1x2x96xi32, #tpu.memory_space<hbm>> -> memref<2x96xi32, #tpu.memory_space<hbm>>
          tpu.wait_dma2 semaphore(%run_scoped3A_135 : memref<!tpu.dma_semaphore, #tpu.memory_space<semaphore_mem>>) src(%dma_wait3A_151 : memref<2x96xi32, #tpu.memory_space<hbm>>) dst(%arg6 : memref<2x96xi32, #tpu.memory_space<vmem>>)
          tpu.yield
        }) : () -> ()
        %dma_start3A_128 = arith.constant 0 : i32
        %dma_start3A_129 = arith.constant 0 : i32
        %dma_start3A_130 = tpu.memref_slice %arg6[%dma_start3A_128, %dma_start3A_129] : memref<2x96xi32, #tpu.memory_space<vmem>> -> memref<1x96xi32, #tpu.memory_space<vmem>>
        %dma_start3A_131 = tpu.memref_squeeze %dma_start3A_130 : memref<1x96xi32, #tpu.memory_space<vmem>> -> memref<96xi32, #tpu.memory_space<vmem>>
        %dma_start3A_132 = arith.constant 0 : i32
        %dma_start3A_133 = arith.constant 0 : i32
        %dma_start3A_134 = tpu.memref_slice %arg3[%dma_start3A_132, %dma_start3A_133] : memref<10000x128xf32, #tpu.memory_space<hbm>> -> memref<10000x128xf32, #tpu.memory_space<hbm>>
        tpu.enqueue_indirect_dma source(%dma_start3A_134 : memref<10000x128xf32, #tpu.memory_space<hbm>>) target(%arg9 : memref<96x128xf32, #tpu.memory_space<vmem>>) offsets(%dma_start3A_131 : memref<96xi32, #tpu.memory_space<vmem>>) semaphore(%arg13 : memref<!tpu.dma_semaphore, #tpu.memory_space<semaphore_mem>>)
      } else {
      }
      %dma_wait3A_92 = arith.constant 1 : i32
      %dma_wait3A_93 = arith.constant 0 : i32
      %dma_wait3A_94 = tpu.memref_slice %arg7[%dma_wait3A_92, %dma_wait3A_93] : memref<2x96xi32, #tpu.memory_space<vmem>> -> memref<1x96xi32, #tpu.memory_space<vmem>>
      %dma_wait3A_95 = tpu.memref_squeeze %dma_wait3A_94 : memref<1x96xi32, #tpu.memory_space<vmem>> -> memref<96xi32, #tpu.memory_space<vmem>>
      %dma_wait3A_96 = arith.constant 0 : i32
      %dma_wait3A_97 = arith.constant 0 : i32
      %dma_wait3A_98 = tpu.memref_slice %arg12[%dma_wait3A_96, %dma_wait3A_97] : memref<10240x128xf32, #tpu.memory_space<vmem_shared>> -> memref<10240x128xf32, #tpu.memory_space<vmem_shared>>
      tpu.wait_indirect_dma semaphore(%arg17 : memref<!tpu.dma_semaphore, #tpu.memory_space<semaphore_mem>>) src(%arg10 : memref<96x128xf32, #tpu.memory_space<vmem>>) dst(%dma_wait3A_98 : memref<10240x128xf32, #tpu.memory_space<vmem_shared>>)
      %add3A_99 = arith.constant 3 : i32
      %add3A_100 = arith.addi %mul3A_37, %add3A_99 : i32
      %add3A_101 = arith.constant 1 : i32
      %add3A_102 = arith.addi %add3A_100, %add3A_101 : i32
      %lt3A_103 = arith.constant 105 : i32
      %lt3A_104 = arith.cmpi slt, %add3A_102, %lt3A_103 : i32
      %convert_element_type3A_105 = arith.extui %lt3A_104 : i1 to i32
      %cond3A_106 = arith.constant 0 : i32
      %cond3A_107 = arith.cmpi ne, %convert_element_type3A_105, %cond3A_106 : i32
      scf.if %cond3A_107 {
        %add3A_124 = arith.constant 3 : i32
        %add3A_125 = arith.addi %mul3A_37, %add3A_124 : i32
        %add3A_126 = arith.constant 1 : i32
        %add3A_127 = arith.addi %add3A_125, %add3A_126 : i32
        "tpu.region"() ({
          %run_scoped3A_135 = tpu.sem_alloc : memref<!tpu.dma_semaphore, #tpu.memory_space<semaphore_mem>>
          %dma_start3A_136 = arith.constant 0 : i32
          %dma_start3A_137 = arith.constant 0 : i32
          %dma_start3A_138 = tpu.memref_slice %arg2[%add3A, %add3A_127, %dma_start3A_136, %dma_start3A_137] : memref<32x105x2x96xi32, #tpu.memory_space<hbm>> -> memref<1x1x2x96xi32, #tpu.memory_space<hbm>>
          %dma_start3A_139 = tpu.memref_squeeze %dma_start3A_138 : memref<1x1x2x96xi32, #tpu.memory_space<hbm>> -> memref<2x96xi32, #tpu.memory_space<hbm>>
          %dma_start3A_140 = arith.constant 0 : i32
          %dma_start3A_141 = arith.constant 0 : i32
          %dma_start3A_142 = tpu.memref_slice %arg2[%add3A, %add3A_127, %dma_start3A_140, %dma_start3A_141] : memref<32x105x2x96xi32, #tpu.memory_space<hbm>> -> memref<1x1x2x96xi32, #tpu.memory_space<hbm>>
          %dma_start3A_143 = tpu.memref_squeeze %dma_start3A_142 : memref<1x1x2x96xi32, #tpu.memory_space<hbm>> -> memref<2x96xi32, #tpu.memory_space<hbm>>
          tpu.enqueue_dma source(%dma_start3A_143 : memref<2x96xi32, #tpu.memory_space<hbm>>) target(%arg7 : memref<2x96xi32, #tpu.memory_space<vmem>>) target_semaphore(%run_scoped3A_135 : memref<!tpu.dma_semaphore, #tpu.memory_space<semaphore_mem>>)
          %dma_wait3A_144 = arith.constant 0 : i32
          %dma_wait3A_145 = arith.constant 0 : i32
          %dma_wait3A_146 = tpu.memref_slice %arg2[%add3A, %add3A_127, %dma_wait3A_144, %dma_wait3A_145] : memref<32x105x2x96xi32, #tpu.memory_space<hbm>> -> memref<1x1x2x96xi32, #tpu.memory_space<hbm>>
          %dma_wait3A_147 = tpu.memref_squeeze %dma_wait3A_146 : memref<1x1x2x96xi32, #tpu.memory_space<hbm>> -> memref<2x96xi32, #tpu.memory_space<hbm>>
          %dma_wait3A_148 = arith.constant 0 : i32
          %dma_wait3A_149 = arith.constant 0 : i32
          %dma_wait3A_150 = tpu.memref_slice %arg2[%add3A, %add3A_127, %dma_wait3A_148, %dma_wait3A_149] : memref<32x105x2x96xi32, #tpu.memory_space<hbm>> -> memref<1x1x2x96xi32, #tpu.memory_space<hbm>>
          %dma_wait3A_151 = tpu.memref_squeeze %dma_wait3A_150 : memref<1x1x2x96xi32, #tpu.memory_space<hbm>> -> memref<2x96xi32, #tpu.memory_space<hbm>>
          tpu.wait_dma2 semaphore(%run_scoped3A_135 : memref<!tpu.dma_semaphore, #tpu.memory_space<semaphore_mem>>) src(%dma_wait3A_151 : memref<2x96xi32, #tpu.memory_space<hbm>>) dst(%arg7 : memref<2x96xi32, #tpu.memory_space<vmem>>)
          tpu.yield
        }) : () -> ()
        %dma_start3A_128 = arith.constant 0 : i32
        %dma_start3A_129 = arith.constant 0 : i32
        %dma_start3A_130 = tpu.memref_slice %arg7[%dma_start3A_128, %dma_start3A_129] : memref<2x96xi32, #tpu.memory_space<vmem>> -> memref<1x96xi32, #tpu.memory_space<vmem>>
        %dma_start3A_131 = tpu.memref_squeeze %dma_start3A_130 : memref<1x96xi32, #tpu.memory_space<vmem>> -> memref<96xi32, #tpu.memory_space<vmem>>
        %dma_start3A_132 = arith.constant 0 : i32
        %dma_start3A_133 = arith.constant 0 : i32
        %dma_start3A_134 = tpu.memref_slice %arg3[%dma_start3A_132, %dma_start3A_133] : memref<10000x128xf32, #tpu.memory_space<hbm>> -> memref<10000x128xf32, #tpu.memory_space<hbm>>
        tpu.enqueue_indirect_dma source(%dma_start3A_134 : memref<10000x128xf32, #tpu.memory_space<hbm>>) target(%arg10 : memref<96x128xf32, #tpu.memory_space<vmem>>) offsets(%dma_start3A_131 : memref<96xi32, #tpu.memory_space<vmem>>) semaphore(%arg14 : memref<!tpu.dma_semaphore, #tpu.memory_space<semaphore_mem>>)
      } else {
      }
      %dma_wait3A_108 = arith.constant 1 : i32
      %dma_wait3A_109 = arith.constant 0 : i32
      %dma_wait3A_110 = tpu.memref_slice %arg8[%dma_wait3A_108, %dma_wait3A_109] : memref<2x96xi32, #tpu.memory_space<vmem>> -> memref<1x96xi32, #tpu.memory_space<vmem>>
      %dma_wait3A_111 = tpu.memref_squeeze %dma_wait3A_110 : memref<1x96xi32, #tpu.memory_space<vmem>> -> memref<96xi32, #tpu.memory_space<vmem>>
      %dma_wait3A_112 = arith.constant 0 : i32
      %dma_wait3A_113 = arith.constant 0 : i32
      %dma_wait3A_114 = tpu.memref_slice %arg12[%dma_wait3A_112, %dma_wait3A_113] : memref<10240x128xf32, #tpu.memory_space<vmem_shared>> -> memref<10240x128xf32, #tpu.memory_space<vmem_shared>>
      tpu.wait_indirect_dma semaphore(%arg18 : memref<!tpu.dma_semaphore, #tpu.memory_space<semaphore_mem>>) src(%arg11 : memref<96x128xf32, #tpu.memory_space<vmem>>) dst(%dma_wait3A_114 : memref<10240x128xf32, #tpu.memory_space<vmem_shared>>)
      %add3A_115 = arith.constant 3 : i32
      %add3A_116 = arith.addi %mul3A_37, %add3A_115 : i32
      %add3A_117 = arith.constant 2 : i32
      %add3A_118 = arith.addi %add3A_116, %add3A_117 : i32
      %lt3A_119 = arith.constant 105 : i32
      %lt3A_120 = arith.cmpi slt, %add3A_118, %lt3A_119 : i32
      %convert_element_type3A_121 = arith.extui %lt3A_120 : i1 to i32
      %cond3A_122 = arith.constant 0 : i32
      %cond3A_123 = arith.cmpi ne, %convert_element_type3A_121, %cond3A_122 : i32
      scf.if %cond3A_123 {
        %add3A_124 = arith.constant 3 : i32
        %add3A_125 = arith.addi %mul3A_37, %add3A_124 : i32
        %add3A_126 = arith.constant 2 : i32
        %add3A_127 = arith.addi %add3A_125, %add3A_126 : i32
        "tpu.region"() ({
          %run_scoped3A_135 = tpu.sem_alloc : memref<!tpu.dma_semaphore, #tpu.memory_space<semaphore_mem>>
          %dma_start3A_136 = arith.constant 0 : i32
          %dma_start3A_137 = arith.constant 0 : i32
          %dma_start3A_138 = tpu.memref_slice %arg2[%add3A, %add3A_127, %dma_start3A_136, %dma_start3A_137] : memref<32x105x2x96xi32, #tpu.memory_space<hbm>> -> memref<1x1x2x96xi32, #tpu.memory_space<hbm>>
          %dma_start3A_139 = tpu.memref_squeeze %dma_start3A_138 : memref<1x1x2x96xi32, #tpu.memory_space<hbm>> -> memref<2x96xi32, #tpu.memory_space<hbm>>
          %dma_start3A_140 = arith.constant 0 : i32
          %dma_start3A_141 = arith.constant 0 : i32
          %dma_start3A_142 = tpu.memref_slice %arg2[%add3A, %add3A_127, %dma_start3A_140, %dma_start3A_141] : memref<32x105x2x96xi32, #tpu.memory_space<hbm>> -> memref<1x1x2x96xi32, #tpu.memory_space<hbm>>
          %dma_start3A_143 = tpu.memref_squeeze %dma_start3A_142 : memref<1x1x2x96xi32, #tpu.memory_space<hbm>> -> memref<2x96xi32, #tpu.memory_space<hbm>>
          tpu.enqueue_dma source(%dma_start3A_143 : memref<2x96xi32, #tpu.memory_space<hbm>>) target(%arg8 : memref<2x96xi32, #tpu.memory_space<vmem>>) target_semaphore(%run_scoped3A_135 : memref<!tpu.dma_semaphore, #tpu.memory_space<semaphore_mem>>)
          %dma_wait3A_144 = arith.constant 0 : i32
          %dma_wait3A_145 = arith.constant 0 : i32
          %dma_wait3A_146 = tpu.memref_slice %arg2[%add3A, %add3A_127, %dma_wait3A_144, %dma_wait3A_145] : memref<32x105x2x96xi32, #tpu.memory_space<hbm>> -> memref<1x1x2x96xi32, #tpu.memory_space<hbm>>
          %dma_wait3A_147 = tpu.memref_squeeze %dma_wait3A_146 : memref<1x1x2x96xi32, #tpu.memory_space<hbm>> -> memref<2x96xi32, #tpu.memory_space<hbm>>
          %dma_wait3A_148 = arith.constant 0 : i32
          %dma_wait3A_149 = arith.constant 0 : i32
          %dma_wait3A_150 = tpu.memref_slice %arg2[%add3A, %add3A_127, %dma_wait3A_148, %dma_wait3A_149] : memref<32x105x2x96xi32, #tpu.memory_space<hbm>> -> memref<1x1x2x96xi32, #tpu.memory_space<hbm>>
          %dma_wait3A_151 = tpu.memref_squeeze %dma_wait3A_150 : memref<1x1x2x96xi32, #tpu.memory_space<hbm>> -> memref<2x96xi32, #tpu.memory_space<hbm>>
          tpu.wait_dma2 semaphore(%run_scoped3A_135 : memref<!tpu.dma_semaphore, #tpu.memory_space<semaphore_mem>>) src(%dma_wait3A_151 : memref<2x96xi32, #tpu.memory_space<hbm>>) dst(%arg8 : memref<2x96xi32, #tpu.memory_space<vmem>>)
          tpu.yield
        }) : () -> ()
        %dma_start3A_128 = arith.constant 0 : i32
        %dma_start3A_129 = arith.constant 0 : i32
        %dma_start3A_130 = tpu.memref_slice %arg8[%dma_start3A_128, %dma_start3A_129] : memref<2x96xi32, #tpu.memory_space<vmem>> -> memref<1x96xi32, #tpu.memory_space<vmem>>
        %dma_start3A_131 = tpu.memref_squeeze %dma_start3A_130 : memref<1x96xi32, #tpu.memory_space<vmem>> -> memref<96xi32, #tpu.memory_space<vmem>>
        %dma_start3A_132 = arith.constant 0 : i32
        %dma_start3A_133 = arith.constant 0 : i32
        %dma_start3A_134 = tpu.memref_slice %arg3[%dma_start3A_132, %dma_start3A_133] : memref<10000x128xf32, #tpu.memory_space<hbm>> -> memref<10000x128xf32, #tpu.memory_space<hbm>>
        tpu.enqueue_indirect_dma source(%dma_start3A_134 : memref<10000x128xf32, #tpu.memory_space<hbm>>) target(%arg11 : memref<96x128xf32, #tpu.memory_space<vmem>>) offsets(%dma_start3A_131 : memref<96xi32, #tpu.memory_space<vmem>>) semaphore(%arg15 : memref<!tpu.dma_semaphore, #tpu.memory_space<semaphore_mem>>)
      } else {
      }
    }
    %scan3A_29 = arith.constant 35 : i32
    %barrier3A_30 = arith.constant 0 : index
    tpu.barrier barrier_id(%barrier3A_30)
    %mul3A_31 = arith.constant 640 : i32
    %mul3A_32 = arith.muli %arg1, %mul3A_31 : i32
    %mul3A_33 = arith.constant 640 : i32
    %mul3A_34 = arith.muli %arg1, %mul3A_33 : i32
    "tpu.region"() ({
      %run_scoped3A_35 = tpu.sem_alloc : memref<!tpu.dma_semaphore, #tpu.memory_space<semaphore_mem>>
      %dma_start3A_36 = arith.constant 0 : i32
      %dma_start3A_37 = tpu.memref_slice %arg5[%arg0, %mul3A_34, %dma_start3A_36] : memref<2x10240x128xf32, #tpu.memory_space<hbm>> -> memref<1x640x128xf32, #tpu.memory_space<hbm>>
      %dma_start3A_38 = tpu.memref_squeeze %dma_start3A_37 : memref<1x640x128xf32, #tpu.memory_space<hbm>> -> memref<640x128xf32, #tpu.memory_space<hbm>>
      %dma_start3A_39 = arith.constant 0 : i32
      %dma_start3A_40 = tpu.memref_slice %arg12[%mul3A_32, %dma_start3A_39] : memref<10240x128xf32, #tpu.memory_space<vmem_shared>> -> memref<640x128xf32, #tpu.memory_space<vmem_shared>>
      tpu.enqueue_dma source(%dma_start3A_40 : memref<640x128xf32, #tpu.memory_space<vmem_shared>>) target(%dma_start3A_38 : memref<640x128xf32, #tpu.memory_space<hbm>>) target_semaphore(%run_scoped3A_35 : memref<!tpu.dma_semaphore, #tpu.memory_space<semaphore_mem>>)
      %dma_wait3A = arith.constant 0 : i32
      %dma_wait3A_41 = tpu.memref_slice %arg5[%arg0, %mul3A_34, %dma_wait3A] : memref<2x10240x128xf32, #tpu.memory_space<hbm>> -> memref<1x640x128xf32, #tpu.memory_space<hbm>>
      %dma_wait3A_42 = tpu.memref_squeeze %dma_wait3A_41 : memref<1x640x128xf32, #tpu.memory_space<hbm>> -> memref<640x128xf32, #tpu.memory_space<hbm>>
      %dma_wait3A_43 = arith.constant 0 : i32
      %dma_wait3A_44 = tpu.memref_slice %arg12[%mul3A_32, %dma_wait3A_43] : memref<10240x128xf32, #tpu.memory_space<vmem_shared>> -> memref<640x128xf32, #tpu.memory_space<vmem_shared>>
      tpu.wait_dma2 semaphore(%run_scoped3A_35 : memref<!tpu.dma_semaphore, #tpu.memory_space<semaphore_mem>>) src(%dma_wait3A_44 : memref<640x128xf32, #tpu.memory_space<vmem_shared>>) dst(%dma_wait3A_42 : memref<640x128xf32, #tpu.memory_space<hbm>>)
      tpu.yield
    }) : () -> ()
    return
  }
}

#map = affine_map<(d0, d1) -> (0, 0, 0, 0)>
#map1 = affine_map<(d0, d1) -> (0, 0)>
#map2 = affine_map<(d0, d1) -> (0, 0, 0)>
module attributes {stable_mosaic.version = 14 : i64} {
  func.func @edge_kernel(%arg0: i32, %arg1: i32, %arg2: memref<32x105x2x96xi32, #tpu.memory_space<hbm>>, %arg3: memref<10000x128xf32, #tpu.memory_space<hbm>>, %arg4: memref<640x128xf32, #tpu.memory_space<hbm>>, %arg5: memref<2x10240x128xf32, #tpu.memory_space<hbm>>, %arg6: memref<2x96xi32, #tpu.memory_space<vmem>>, %arg7: memref<2x96xi32, #tpu.memory_space<vmem>>, %arg8: memref<2x96xi32, #tpu.memory_space<vmem>>, %arg9: memref<96x128xf32, #tpu.memory_space<vmem>>, %arg10: memref<96x128xf32, #tpu.memory_space<vmem>>, %arg11: memref<96x128xf32, #tpu.memory_space<vmem>>, %arg12: memref<10240x128xf32, #tpu.memory_space<vmem_shared>>, %arg13: memref<!tpu.dma_semaphore, #tpu.memory_space<semaphore_mem>>, %arg14: memref<!tpu.dma_semaphore, #tpu.memory_space<semaphore_mem>>, %arg15: memref<!tpu.dma_semaphore, #tpu.memory_space<semaphore_mem>>, %arg16: memref<!tpu.dma_semaphore, #tpu.memory_space<semaphore_mem>>, %arg17: memref<!tpu.dma_semaphore, #tpu.memory_space<semaphore_mem>>, %arg18: memref<!tpu.dma_semaphore, #tpu.memory_space<semaphore_mem>>) attributes {dimension_semantics = [#tpu.dimension_semantics<core_parallel>, #tpu.dimension_semantics<subcore_parallel>], iteration_bounds = array<i64: 2, 16>, scalar_prefetch = 0 : i64, scratch_operands = 13 : i64, tpu.core_type = #tpu.core_type<sc_vector_subcore>, window_params = [{transform_indices = #map}, {transform_indices = #map1}, {transform_indices = #map1}, {transform_indices = #map2}]} {
    %mul3A = arith.constant 16 : i32
    %mul3A_0 = arith.muli %arg0, %mul3A : i32
    %add3A = arith.addi %mul3A_0, %arg1 : i32
    %mul3A_1 = arith.constant 640 : i32
    %mul3A_2 = arith.muli %arg1, %mul3A_1 : i32
    "tpu.region"() ({
      %run_scoped3A_35 = tpu.sem_alloc : memref<!tpu.dma_semaphore, #tpu.memory_space<semaphore_mem>>
      %dma_start3A_36 = arith.constant 0 : i32
      %dma_start3A_37 = tpu.memref_slice %arg12[%mul3A_2, %dma_start3A_36] : memref<10240x128xf32, #tpu.memory_space<vmem_shared>> -> memref<640x128xf32, #tpu.memory_space<vmem_shared>>
      tpu.enqueue_dma source(%arg4 : memref<640x128xf32, #tpu.memory_space<hbm>>) target(%dma_start3A_37 : memref<640x128xf32, #tpu.memory_space<vmem_shared>>) target_semaphore(%run_scoped3A_35 : memref<!tpu.dma_semaphore, #tpu.memory_space<semaphore_mem>>)
      %dma_wait3A = arith.constant 0 : i32
      %dma_wait3A_38 = tpu.memref_slice %arg12[%mul3A_2, %dma_wait3A] : memref<10240x128xf32, #tpu.memory_space<vmem_shared>> -> memref<640x128xf32, #tpu.memory_space<vmem_shared>>
      tpu.wait_dma2 semaphore(%run_scoped3A_35 : memref<!tpu.dma_semaphore, #tpu.memory_space<semaphore_mem>>) src(%arg4 : memref<640x128xf32, #tpu.memory_space<hbm>>) dst(%dma_wait3A_38 : memref<640x128xf32, #tpu.memory_space<vmem_shared>>)
      tpu.yield
    }) : () -> ()
    %barrier3A = arith.constant 0 : index
    tpu.barrier barrier_id(%barrier3A)
    %run_scoped3A = arith.constant 0 : i32
    "tpu.region"() ({
      %run_scoped3A_35 = tpu.sem_alloc : memref<!tpu.dma_semaphore, #tpu.memory_space<semaphore_mem>>
      %dma_start3A_36 = arith.constant 0 : i32
      %dma_start3A_37 = arith.constant 0 : i32
      %dma_start3A_38 = tpu.memref_slice %arg2[%add3A, %run_scoped3A, %dma_start3A_36, %dma_start3A_37] : memref<32x105x2x96xi32, #tpu.memory_space<hbm>> -> memref<1x1x2x96xi32, #tpu.memory_space<hbm>>
      %dma_start3A_39 = tpu.memref_squeeze %dma_start3A_38 : memref<1x1x2x96xi32, #tpu.memory_space<hbm>> -> memref<2x96xi32, #tpu.memory_space<hbm>>
      %dma_start3A_40 = arith.constant 0 : i32
      %dma_start3A_41 = arith.constant 0 : i32
      %dma_start3A_42 = tpu.memref_slice %arg2[%add3A, %run_scoped3A, %dma_start3A_40, %dma_start3A_41] : memref<32x105x2x96xi32, #tpu.memory_space<hbm>> -> memref<1x1x2x96xi32, #tpu.memory_space<hbm>>
      %dma_start3A_43 = tpu.memref_squeeze %dma_start3A_42 : memref<1x1x2x96xi32, #tpu.memory_space<hbm>> -> memref<2x96xi32, #tpu.memory_space<hbm>>
      tpu.enqueue_dma source(%dma_start3A_43 : memref<2x96xi32, #tpu.memory_space<hbm>>) target(%arg6 : memref<2x96xi32, #tpu.memory_space<vmem>>) target_semaphore(%run_scoped3A_35 : memref<!tpu.dma_semaphore, #tpu.memory_space<semaphore_mem>>)
      %dma_wait3A = arith.constant 0 : i32
      %dma_wait3A_44 = arith.constant 0 : i32
      %dma_wait3A_45 = tpu.memref_slice %arg2[%add3A, %run_scoped3A, %dma_wait3A, %dma_wait3A_44] : memref<32x105x2x96xi32, #tpu.memory_space<hbm>> -> memref<1x1x2x96xi32, #tpu.memory_space<hbm>>
      %dma_wait3A_46 = tpu.memref_squeeze %dma_wait3A_45 : memref<1x1x2x96xi32, #tpu.memory_space<hbm>> -> memref<2x96xi32, #tpu.memory_space<hbm>>
      %dma_wait3A_47 = arith.constant 0 : i32
      %dma_wait3A_48 = arith.constant 0 : i32
      %dma_wait3A_49 = tpu.memref_slice %arg2[%add3A, %run_scoped3A, %dma_wait3A_47, %dma_wait3A_48] : memref<32x105x2x96xi32, #tpu.memory_space<hbm>> -> memref<1x1x2x96xi32, #tpu.memory_space<hbm>>
      %dma_wait3A_50 = tpu.memref_squeeze %dma_wait3A_49 : memref<1x1x2x96xi32, #tpu.memory_space<hbm>> -> memref<2x96xi32, #tpu.memory_space<hbm>>
      tpu.wait_dma2 semaphore(%run_scoped3A_35 : memref<!tpu.dma_semaphore, #tpu.memory_space<semaphore_mem>>) src(%dma_wait3A_50 : memref<2x96xi32, #tpu.memory_space<hbm>>) dst(%arg6 : memref<2x96xi32, #tpu.memory_space<vmem>>)
      tpu.yield
    }) : () -> ()
    %dma_start3A = arith.constant 0 : i32
    %dma_start3A_3 = arith.constant 0 : i32
    %dma_start3A_4 = tpu.memref_slice %arg6[%dma_start3A, %dma_start3A_3] : memref<2x96xi32, #tpu.memory_space<vmem>> -> memref<1x96xi32, #tpu.memory_space<vmem>>
    %dma_start3A_5 = tpu.memref_squeeze %dma_start3A_4 : memref<1x96xi32, #tpu.memory_space<vmem>> -> memref<96xi32, #tpu.memory_space<vmem>>
    %dma_start3A_6 = arith.constant 0 : i32
    %dma_start3A_7 = arith.constant 0 : i32
    %dma_start3A_8 = tpu.memref_slice %arg3[%dma_start3A_6, %dma_start3A_7] : memref<10000x128xf32, #tpu.memory_space<hbm>> -> memref<10000x128xf32, #tpu.memory_space<hbm>>
    tpu.enqueue_indirect_dma source(%dma_start3A_8 : memref<10000x128xf32, #tpu.memory_space<hbm>>) target(%arg9 : memref<96x128xf32, #tpu.memory_space<vmem>>) offsets(%dma_start3A_5 : memref<96xi32, #tpu.memory_space<vmem>>) semaphore(%arg13 : memref<!tpu.dma_semaphore, #tpu.memory_space<semaphore_mem>>)
    %run_scoped3A_9 = arith.constant 1 : i32
    "tpu.region"() ({
      %run_scoped3A_35 = tpu.sem_alloc : memref<!tpu.dma_semaphore, #tpu.memory_space<semaphore_mem>>
      %dma_start3A_36 = arith.constant 0 : i32
      %dma_start3A_37 = arith.constant 0 : i32
      %dma_start3A_38 = tpu.memref_slice %arg2[%add3A, %run_scoped3A_9, %dma_start3A_36, %dma_start3A_37] : memref<32x105x2x96xi32, #tpu.memory_space<hbm>> -> memref<1x1x2x96xi32, #tpu.memory_space<hbm>>
      %dma_start3A_39 = tpu.memref_squeeze %dma_start3A_38 : memref<1x1x2x96xi32, #tpu.memory_space<hbm>> -> memref<2x96xi32, #tpu.memory_space<hbm>>
      %dma_start3A_40 = arith.constant 0 : i32
      %dma_start3A_41 = arith.constant 0 : i32
      %dma_start3A_42 = tpu.memref_slice %arg2[%add3A, %run_scoped3A_9, %dma_start3A_40, %dma_start3A_41] : memref<32x105x2x96xi32, #tpu.memory_space<hbm>> -> memref<1x1x2x96xi32, #tpu.memory_space<hbm>>
      %dma_start3A_43 = tpu.memref_squeeze %dma_start3A_42 : memref<1x1x2x96xi32, #tpu.memory_space<hbm>> -> memref<2x96xi32, #tpu.memory_space<hbm>>
      tpu.enqueue_dma source(%dma_start3A_43 : memref<2x96xi32, #tpu.memory_space<hbm>>) target(%arg7 : memref<2x96xi32, #tpu.memory_space<vmem>>) target_semaphore(%run_scoped3A_35 : memref<!tpu.dma_semaphore, #tpu.memory_space<semaphore_mem>>)
      %dma_wait3A = arith.constant 0 : i32
      %dma_wait3A_44 = arith.constant 0 : i32
      %dma_wait3A_45 = tpu.memref_slice %arg2[%add3A, %run_scoped3A_9, %dma_wait3A, %dma_wait3A_44] : memref<32x105x2x96xi32, #tpu.memory_space<hbm>> -> memref<1x1x2x96xi32, #tpu.memory_space<hbm>>
      %dma_wait3A_46 = tpu.memref_squeeze %dma_wait3A_45 : memref<1x1x2x96xi32, #tpu.memory_space<hbm>> -> memref<2x96xi32, #tpu.memory_space<hbm>>
      %dma_wait3A_47 = arith.constant 0 : i32
      %dma_wait3A_48 = arith.constant 0 : i32
      %dma_wait3A_49 = tpu.memref_slice %arg2[%add3A, %run_scoped3A_9, %dma_wait3A_47, %dma_wait3A_48] : memref<32x105x2x96xi32, #tpu.memory_space<hbm>> -> memref<1x1x2x96xi32, #tpu.memory_space<hbm>>
      %dma_wait3A_50 = tpu.memref_squeeze %dma_wait3A_49 : memref<1x1x2x96xi32, #tpu.memory_space<hbm>> -> memref<2x96xi32, #tpu.memory_space<hbm>>
      tpu.wait_dma2 semaphore(%run_scoped3A_35 : memref<!tpu.dma_semaphore, #tpu.memory_space<semaphore_mem>>) src(%dma_wait3A_50 : memref<2x96xi32, #tpu.memory_space<hbm>>) dst(%arg7 : memref<2x96xi32, #tpu.memory_space<vmem>>)
      tpu.yield
    }) : () -> ()
    %dma_start3A_10 = arith.constant 0 : i32
    %dma_start3A_11 = arith.constant 0 : i32
    %dma_start3A_12 = tpu.memref_slice %arg7[%dma_start3A_10, %dma_start3A_11] : memref<2x96xi32, #tpu.memory_space<vmem>> -> memref<1x96xi32, #tpu.memory_space<vmem>>
    %dma_start3A_13 = tpu.memref_squeeze %dma_start3A_12 : memref<1x96xi32, #tpu.memory_space<vmem>> -> memref<96xi32, #tpu.memory_space<vmem>>
    %dma_start3A_14 = arith.constant 0 : i32
    %dma_start3A_15 = arith.constant 0 : i32
    %dma_start3A_16 = tpu.memref_slice %arg3[%dma_start3A_14, %dma_start3A_15] : memref<10000x128xf32, #tpu.memory_space<hbm>> -> memref<10000x128xf32, #tpu.memory_space<hbm>>
    tpu.enqueue_indirect_dma source(%dma_start3A_16 : memref<10000x128xf32, #tpu.memory_space<hbm>>) target(%arg10 : memref<96x128xf32, #tpu.memory_space<vmem>>) offsets(%dma_start3A_13 : memref<96xi32, #tpu.memory_space<vmem>>) semaphore(%arg14 : memref<!tpu.dma_semaphore, #tpu.memory_space<semaphore_mem>>)
    %run_scoped3A_17 = arith.constant 2 : i32
    "tpu.region"() ({
      %run_scoped3A_35 = tpu.sem_alloc : memref<!tpu.dma_semaphore, #tpu.memory_space<semaphore_mem>>
      %dma_start3A_36 = arith.constant 0 : i32
      %dma_start3A_37 = arith.constant 0 : i32
      %dma_start3A_38 = tpu.memref_slice %arg2[%add3A, %run_scoped3A_17, %dma_start3A_36, %dma_start3A_37] : memref<32x105x2x96xi32, #tpu.memory_space<hbm>> -> memref<1x1x2x96xi32, #tpu.memory_space<hbm>>
      %dma_start3A_39 = tpu.memref_squeeze %dma_start3A_38 : memref<1x1x2x96xi32, #tpu.memory_space<hbm>> -> memref<2x96xi32, #tpu.memory_space<hbm>>
      %dma_start3A_40 = arith.constant 0 : i32
      %dma_start3A_41 = arith.constant 0 : i32
      %dma_start3A_42 = tpu.memref_slice %arg2[%add3A, %run_scoped3A_17, %dma_start3A_40, %dma_start3A_41] : memref<32x105x2x96xi32, #tpu.memory_space<hbm>> -> memref<1x1x2x96xi32, #tpu.memory_space<hbm>>
      %dma_start3A_43 = tpu.memref_squeeze %dma_start3A_42 : memref<1x1x2x96xi32, #tpu.memory_space<hbm>> -> memref<2x96xi32, #tpu.memory_space<hbm>>
      tpu.enqueue_dma source(%dma_start3A_43 : memref<2x96xi32, #tpu.memory_space<hbm>>) target(%arg8 : memref<2x96xi32, #tpu.memory_space<vmem>>) target_semaphore(%run_scoped3A_35 : memref<!tpu.dma_semaphore, #tpu.memory_space<semaphore_mem>>)
      %dma_wait3A = arith.constant 0 : i32
      %dma_wait3A_44 = arith.constant 0 : i32
      %dma_wait3A_45 = tpu.memref_slice %arg2[%add3A, %run_scoped3A_17, %dma_wait3A, %dma_wait3A_44] : memref<32x105x2x96xi32, #tpu.memory_space<hbm>> -> memref<1x1x2x96xi32, #tpu.memory_space<hbm>>
      %dma_wait3A_46 = tpu.memref_squeeze %dma_wait3A_45 : memref<1x1x2x96xi32, #tpu.memory_space<hbm>> -> memref<2x96xi32, #tpu.memory_space<hbm>>
      %dma_wait3A_47 = arith.constant 0 : i32
      %dma_wait3A_48 = arith.constant 0 : i32
      %dma_wait3A_49 = tpu.memref_slice %arg2[%add3A, %run_scoped3A_17, %dma_wait3A_47, %dma_wait3A_48] : memref<32x105x2x96xi32, #tpu.memory_space<hbm>> -> memref<1x1x2x96xi32, #tpu.memory_space<hbm>>
      %dma_wait3A_50 = tpu.memref_squeeze %dma_wait3A_49 : memref<1x1x2x96xi32, #tpu.memory_space<hbm>> -> memref<2x96xi32, #tpu.memory_space<hbm>>
      tpu.wait_dma2 semaphore(%run_scoped3A_35 : memref<!tpu.dma_semaphore, #tpu.memory_space<semaphore_mem>>) src(%dma_wait3A_50 : memref<2x96xi32, #tpu.memory_space<hbm>>) dst(%arg8 : memref<2x96xi32, #tpu.memory_space<vmem>>)
      tpu.yield
    }) : () -> ()
    %dma_start3A_18 = arith.constant 0 : i32
    %dma_start3A_19 = arith.constant 0 : i32
    %dma_start3A_20 = tpu.memref_slice %arg8[%dma_start3A_18, %dma_start3A_19] : memref<2x96xi32, #tpu.memory_space<vmem>> -> memref<1x96xi32, #tpu.memory_space<vmem>>
    %dma_start3A_21 = tpu.memref_squeeze %dma_start3A_20 : memref<1x96xi32, #tpu.memory_space<vmem>> -> memref<96xi32, #tpu.memory_space<vmem>>
    %dma_start3A_22 = arith.constant 0 : i32
    %dma_start3A_23 = arith.constant 0 : i32
    %dma_start3A_24 = tpu.memref_slice %arg3[%dma_start3A_22, %dma_start3A_23] : memref<10000x128xf32, #tpu.memory_space<hbm>> -> memref<10000x128xf32, #tpu.memory_space<hbm>>
    tpu.enqueue_indirect_dma source(%dma_start3A_24 : memref<10000x128xf32, #tpu.memory_space<hbm>>) target(%arg11 : memref<96x128xf32, #tpu.memory_space<vmem>>) offsets(%dma_start3A_21 : memref<96xi32, #tpu.memory_space<vmem>>) semaphore(%arg15 : memref<!tpu.dma_semaphore, #tpu.memory_space<semaphore_mem>>)
    %scan3A = arith.constant 0 : i32
    %scan3A_25 = arith.constant 0 : i32
    %scan3A_26 = arith.constant 35 : i32
    %scan3A_27 = arith.addi %scan3A_25, %scan3A_26 : i32
    %scan3A_28 = arith.constant 1 : i32
    scf.for %scan3A_35 = %scan3A_25 to %scan3A_27 step %scan3A_28  : i32 {
      %mul3A_36 = arith.constant 3 : i32
      %mul3A_37 = arith.muli %mul3A_36, %scan3A_35 : i32
      %dma_wait3A = arith.constant 0 : i32
      %dma_wait3A_38 = arith.constant 0 : i32
      %dma_wait3A_39 = tpu.memref_slice %arg6[%dma_wait3A, %dma_wait3A_38] : memref<2x96xi32, #tpu.memory_space<vmem>> -> memref<1x96xi32, #tpu.memory_space<vmem>>
      %dma_wait3A_40 = tpu.memref_squeeze %dma_wait3A_39 : memref<1x96xi32, #tpu.memory_space<vmem>> -> memref<96xi32, #tpu.memory_space<vmem>>
      %dma_wait3A_41 = arith.constant 0 : i32
      %dma_wait3A_42 = arith.constant 0 : i32
      %dma_wait3A_43 = tpu.memref_slice %arg3[%dma_wait3A_41, %dma_wait3A_42] : memref<10000x128xf32, #tpu.memory_space<hbm>> -> memref<10000x128xf32, #tpu.memory_space<hbm>>
      tpu.wait_indirect_dma semaphore(%arg13 : memref<!tpu.dma_semaphore, #tpu.memory_space<semaphore_mem>>) src(%dma_wait3A_43 : memref<10000x128xf32, #tpu.memory_space<hbm>>) dst(%arg9 : memref<96x128xf32, #tpu.memory_space<vmem>>)
      %dma_start3A_44 = arith.constant 1 : i32
      %dma_start3A_45 = arith.constant 0 : i32
      %dma_start3A_46 = tpu.memref_slice %arg6[%dma_start3A_44, %dma_start3A_45] : memref<2x96xi32, #tpu.memory_space<vmem>> -> memref<1x96xi32, #tpu.memory_space<vmem>>
      %dma_start3A_47 = tpu.memref_squeeze %dma_start3A_46 : memref<1x96xi32, #tpu.memory_space<vmem>> -> memref<96xi32, #tpu.memory_space<vmem>>
      %dma_start3A_48 = arith.constant 0 : i32
      %dma_start3A_49 = arith.constant 0 : i32
      %dma_start3A_50 = tpu.memref_slice %arg12[%dma_start3A_48, %dma_start3A_49] : memref<10240x128xf32, #tpu.memory_space<vmem_shared>> -> memref<10240x128xf32, #tpu.memory_space<vmem_shared>>
      tpu.enqueue_indirect_dma source(%arg9 : memref<96x128xf32, #tpu.memory_space<vmem>>) target(%dma_start3A_50 : memref<10240x128xf32, #tpu.memory_space<vmem_shared>>) offsets(%dma_start3A_47 : memref<96xi32, #tpu.memory_space<vmem>>) semaphore(%arg16 : memref<!tpu.dma_semaphore, #tpu.memory_space<semaphore_mem>>) {add = true}
      %dma_wait3A_51 = arith.constant 0 : i32
      %dma_wait3A_52 = arith.constant 0 : i32
      %dma_wait3A_53 = tpu.memref_slice %arg7[%dma_wait3A_51, %dma_wait3A_52] : memref<2x96xi32, #tpu.memory_space<vmem>> -> memref<1x96xi32, #tpu.memory_space<vmem>>
      %dma_wait3A_54 = tpu.memref_squeeze %dma_wait3A_53 : memref<1x96xi32, #tpu.memory_space<vmem>> -> memref<96xi32, #tpu.memory_space<vmem>>
      %dma_wait3A_55 = arith.constant 0 : i32
      %dma_wait3A_56 = arith.constant 0 : i32
      %dma_wait3A_57 = tpu.memref_slice %arg3[%dma_wait3A_55, %dma_wait3A_56] : memref<10000x128xf32, #tpu.memory_space<hbm>> -> memref<10000x128xf32, #tpu.memory_space<hbm>>
      tpu.wait_indirect_dma semaphore(%arg14 : memref<!tpu.dma_semaphore, #tpu.memory_space<semaphore_mem>>) src(%dma_wait3A_57 : memref<10000x128xf32, #tpu.memory_space<hbm>>) dst(%arg10 : memref<96x128xf32, #tpu.memory_space<vmem>>)
      %dma_start3A_58 = arith.constant 1 : i32
      %dma_start3A_59 = arith.constant 0 : i32
      %dma_start3A_60 = tpu.memref_slice %arg7[%dma_start3A_58, %dma_start3A_59] : memref<2x96xi32, #tpu.memory_space<vmem>> -> memref<1x96xi32, #tpu.memory_space<vmem>>
      %dma_start3A_61 = tpu.memref_squeeze %dma_start3A_60 : memref<1x96xi32, #tpu.memory_space<vmem>> -> memref<96xi32, #tpu.memory_space<vmem>>
      %dma_start3A_62 = arith.constant 0 : i32
      %dma_start3A_63 = arith.constant 0 : i32
      %dma_start3A_64 = tpu.memref_slice %arg12[%dma_start3A_62, %dma_start3A_63] : memref<10240x128xf32, #tpu.memory_space<vmem_shared>> -> memref<10240x128xf32, #tpu.memory_space<vmem_shared>>
      tpu.enqueue_indirect_dma source(%arg10 : memref<96x128xf32, #tpu.memory_space<vmem>>) target(%dma_start3A_64 : memref<10240x128xf32, #tpu.memory_space<vmem_shared>>) offsets(%dma_start3A_61 : memref<96xi32, #tpu.memory_space<vmem>>) semaphore(%arg17 : memref<!tpu.dma_semaphore, #tpu.memory_space<semaphore_mem>>) {add = true}
      %dma_wait3A_65 = arith.constant 0 : i32
      %dma_wait3A_66 = arith.constant 0 : i32
      %dma_wait3A_67 = tpu.memref_slice %arg8[%dma_wait3A_65, %dma_wait3A_66] : memref<2x96xi32, #tpu.memory_space<vmem>> -> memref<1x96xi32, #tpu.memory_space<vmem>>
      %dma_wait3A_68 = tpu.memref_squeeze %dma_wait3A_67 : memref<1x96xi32, #tpu.memory_space<vmem>> -> memref<96xi32, #tpu.memory_space<vmem>>
      %dma_wait3A_69 = arith.constant 0 : i32
      %dma_wait3A_70 = arith.constant 0 : i32
      %dma_wait3A_71 = tpu.memref_slice %arg3[%dma_wait3A_69, %dma_wait3A_70] : memref<10000x128xf32, #tpu.memory_space<hbm>> -> memref<10000x128xf32, #tpu.memory_space<hbm>>
      tpu.wait_indirect_dma semaphore(%arg15 : memref<!tpu.dma_semaphore, #tpu.memory_space<semaphore_mem>>) src(%dma_wait3A_71 : memref<10000x128xf32, #tpu.memory_space<hbm>>) dst(%arg11 : memref<96x128xf32, #tpu.memory_space<vmem>>)
      %dma_start3A_72 = arith.constant 1 : i32
      %dma_start3A_73 = arith.constant 0 : i32
      %dma_start3A_74 = tpu.memref_slice %arg8[%dma_start3A_72, %dma_start3A_73] : memref<2x96xi32, #tpu.memory_space<vmem>> -> memref<1x96xi32, #tpu.memory_space<vmem>>
      %dma_start3A_75 = tpu.memref_squeeze %dma_start3A_74 : memref<1x96xi32, #tpu.memory_space<vmem>> -> memref<96xi32, #tpu.memory_space<vmem>>
      %dma_start3A_76 = arith.constant 0 : i32
      %dma_start3A_77 = arith.constant 0 : i32
      %dma_start3A_78 = tpu.memref_slice %arg12[%dma_start3A_76, %dma_start3A_77] : memref<10240x128xf32, #tpu.memory_space<vmem_shared>> -> memref<10240x128xf32, #tpu.memory_space<vmem_shared>>
      tpu.enqueue_indirect_dma source(%arg11 : memref<96x128xf32, #tpu.memory_space<vmem>>) target(%dma_start3A_78 : memref<10240x128xf32, #tpu.memory_space<vmem_shared>>) offsets(%dma_start3A_75 : memref<96xi32, #tpu.memory_space<vmem>>) semaphore(%arg18 : memref<!tpu.dma_semaphore, #tpu.memory_space<semaphore_mem>>) {add = true}
      %dma_wait3A_79 = arith.constant 1 : i32
      %dma_wait3A_80 = arith.constant 0 : i32
      %dma_wait3A_81 = tpu.memref_slice %arg6[%dma_wait3A_79, %dma_wait3A_80] : memref<2x96xi32, #tpu.memory_space<vmem>> -> memref<1x96xi32, #tpu.memory_space<vmem>>
      %dma_wait3A_82 = tpu.memref_squeeze %dma_wait3A_81 : memref<1x96xi32, #tpu.memory_space<vmem>> -> memref<96xi32, #tpu.memory_space<vmem>>
      %dma_wait3A_83 = arith.constant 0 : i32
      %dma_wait3A_84 = arith.constant 0 : i32
      %dma_wait3A_85 = tpu.memref_slice %arg12[%dma_wait3A_83, %dma_wait3A_84] : memref<10240x128xf32, #tpu.memory_space<vmem_shared>> -> memref<10240x128xf32, #tpu.memory_space<vmem_shared>>
      tpu.wait_indirect_dma semaphore(%arg16 : memref<!tpu.dma_semaphore, #tpu.memory_space<semaphore_mem>>) src(%arg9 : memref<96x128xf32, #tpu.memory_space<vmem>>) dst(%dma_wait3A_85 : memref<10240x128xf32, #tpu.memory_space<vmem_shared>>)
      %add3A_86 = arith.constant 3 : i32
      %add3A_87 = arith.addi %mul3A_37, %add3A_86 : i32
      %add3A_88 = arith.constant 0 : i32
      %add3A_89 = arith.addi %add3A_87, %add3A_88 : i32
      %lt3A = arith.constant 105 : i32
      %lt3A_90 = arith.cmpi slt, %add3A_89, %lt3A : i32
      %convert_element_type3A = arith.extui %lt3A_90 : i1 to i32
      %cond3A = arith.constant 0 : i32
      %cond3A_91 = arith.cmpi ne, %convert_element_type3A, %cond3A : i32
      scf.if %cond3A_91 {
        %add3A_124 = arith.constant 3 : i32
        %add3A_125 = arith.addi %mul3A_37, %add3A_124 : i32
        %add3A_126 = arith.constant 0 : i32
        %add3A_127 = arith.addi %add3A_125, %add3A_126 : i32
        "tpu.region"() ({
          %run_scoped3A_135 = tpu.sem_alloc : memref<!tpu.dma_semaphore, #tpu.memory_space<semaphore_mem>>
          %dma_start3A_136 = arith.constant 0 : i32
          %dma_start3A_137 = arith.constant 0 : i32
          %dma_start3A_138 = tpu.memref_slice %arg2[%add3A, %add3A_127, %dma_start3A_136, %dma_start3A_137] : memref<32x105x2x96xi32, #tpu.memory_space<hbm>> -> memref<1x1x2x96xi32, #tpu.memory_space<hbm>>
          %dma_start3A_139 = tpu.memref_squeeze %dma_start3A_138 : memref<1x1x2x96xi32, #tpu.memory_space<hbm>> -> memref<2x96xi32, #tpu.memory_space<hbm>>
          %dma_start3A_140 = arith.constant 0 : i32
          %dma_start3A_141 = arith.constant 0 : i32
          %dma_start3A_142 = tpu.memref_slice %arg2[%add3A, %add3A_127, %dma_start3A_140, %dma_start3A_141] : memref<32x105x2x96xi32, #tpu.memory_space<hbm>> -> memref<1x1x2x96xi32, #tpu.memory_space<hbm>>
          %dma_start3A_143 = tpu.memref_squeeze %dma_start3A_142 : memref<1x1x2x96xi32, #tpu.memory_space<hbm>> -> memref<2x96xi32, #tpu.memory_space<hbm>>
          tpu.enqueue_dma source(%dma_start3A_143 : memref<2x96xi32, #tpu.memory_space<hbm>>) target(%arg6 : memref<2x96xi32, #tpu.memory_space<vmem>>) target_semaphore(%run_scoped3A_135 : memref<!tpu.dma_semaphore, #tpu.memory_space<semaphore_mem>>)
          %dma_wait3A_144 = arith.constant 0 : i32
          %dma_wait3A_145 = arith.constant 0 : i32
          %dma_wait3A_146 = tpu.memref_slice %arg2[%add3A, %add3A_127, %dma_wait3A_144, %dma_wait3A_145] : memref<32x105x2x96xi32, #tpu.memory_space<hbm>> -> memref<1x1x2x96xi32, #tpu.memory_space<hbm>>
          %dma_wait3A_147 = tpu.memref_squeeze %dma_wait3A_146 : memref<1x1x2x96xi32, #tpu.memory_space<hbm>> -> memref<2x96xi32, #tpu.memory_space<hbm>>
          %dma_wait3A_148 = arith.constant 0 : i32
          %dma_wait3A_149 = arith.constant 0 : i32
          %dma_wait3A_150 = tpu.memref_slice %arg2[%add3A, %add3A_127, %dma_wait3A_148, %dma_wait3A_149] : memref<32x105x2x96xi32, #tpu.memory_space<hbm>> -> memref<1x1x2x96xi32, #tpu.memory_space<hbm>>
          %dma_wait3A_151 = tpu.memref_squeeze %dma_wait3A_150 : memref<1x1x2x96xi32, #tpu.memory_space<hbm>> -> memref<2x96xi32, #tpu.memory_space<hbm>>
          tpu.wait_dma2 semaphore(%run_scoped3A_135 : memref<!tpu.dma_semaphore, #tpu.memory_space<semaphore_mem>>) src(%dma_wait3A_151 : memref<2x96xi32, #tpu.memory_space<hbm>>) dst(%arg6 : memref<2x96xi32, #tpu.memory_space<vmem>>)
          tpu.yield
        }) : () -> ()
        %dma_start3A_128 = arith.constant 0 : i32
        %dma_start3A_129 = arith.constant 0 : i32
        %dma_start3A_130 = tpu.memref_slice %arg6[%dma_start3A_128, %dma_start3A_129] : memref<2x96xi32, #tpu.memory_space<vmem>> -> memref<1x96xi32, #tpu.memory_space<vmem>>
        %dma_start3A_131 = tpu.memref_squeeze %dma_start3A_130 : memref<1x96xi32, #tpu.memory_space<vmem>> -> memref<96xi32, #tpu.memory_space<vmem>>
        %dma_start3A_132 = arith.constant 0 : i32
        %dma_start3A_133 = arith.constant 0 : i32
        %dma_start3A_134 = tpu.memref_slice %arg3[%dma_start3A_132, %dma_start3A_133] : memref<10000x128xf32, #tpu.memory_space<hbm>> -> memref<10000x128xf32, #tpu.memory_space<hbm>>
        tpu.enqueue_indirect_dma source(%dma_start3A_134 : memref<10000x128xf32, #tpu.memory_space<hbm>>) target(%arg9 : memref<96x128xf32, #tpu.memory_space<vmem>>) offsets(%dma_start3A_131 : memref<96xi32, #tpu.memory_space<vmem>>) semaphore(%arg13 : memref<!tpu.dma_semaphore, #tpu.memory_space<semaphore_mem>>)
      } else {
      }
      %dma_wait3A_92 = arith.constant 1 : i32
      %dma_wait3A_93 = arith.constant 0 : i32
      %dma_wait3A_94 = tpu.memref_slice %arg7[%dma_wait3A_92, %dma_wait3A_93] : memref<2x96xi32, #tpu.memory_space<vmem>> -> memref<1x96xi32, #tpu.memory_space<vmem>>
      %dma_wait3A_95 = tpu.memref_squeeze %dma_wait3A_94 : memref<1x96xi32, #tpu.memory_space<vmem>> -> memref<96xi32, #tpu.memory_space<vmem>>
      %dma_wait3A_96 = arith.constant 0 : i32
      %dma_wait3A_97 = arith.constant 0 : i32
      %dma_wait3A_98 = tpu.memref_slice %arg12[%dma_wait3A_96, %dma_wait3A_97] : memref<10240x128xf32, #tpu.memory_space<vmem_shared>> -> memref<10240x128xf32, #tpu.memory_space<vmem_shared>>
      tpu.wait_indirect_dma semaphore(%arg17 : memref<!tpu.dma_semaphore, #tpu.memory_space<semaphore_mem>>) src(%arg10 : memref<96x128xf32, #tpu.memory_space<vmem>>) dst(%dma_wait3A_98 : memref<10240x128xf32, #tpu.memory_space<vmem_shared>>)
      %add3A_99 = arith.constant 3 : i32
      %add3A_100 = arith.addi %mul3A_37, %add3A_99 : i32
      %add3A_101 = arith.constant 1 : i32
      %add3A_102 = arith.addi %add3A_100, %add3A_101 : i32
      %lt3A_103 = arith.constant 105 : i32
      %lt3A_104 = arith.cmpi slt, %add3A_102, %lt3A_103 : i32
      %convert_element_type3A_105 = arith.extui %lt3A_104 : i1 to i32
      %cond3A_106 = arith.constant 0 : i32
      %cond3A_107 = arith.cmpi ne, %convert_element_type3A_105, %cond3A_106 : i32
      scf.if %cond3A_107 {
        %add3A_124 = arith.constant 3 : i32
        %add3A_125 = arith.addi %mul3A_37, %add3A_124 : i32
        %add3A_126 = arith.constant 1 : i32
        %add3A_127 = arith.addi %add3A_125, %add3A_126 : i32
        "tpu.region"() ({
          %run_scoped3A_135 = tpu.sem_alloc : memref<!tpu.dma_semaphore, #tpu.memory_space<semaphore_mem>>
          %dma_start3A_136 = arith.constant 0 : i32
          %dma_start3A_137 = arith.constant 0 : i32
          %dma_start3A_138 = tpu.memref_slice %arg2[%add3A, %add3A_127, %dma_start3A_136, %dma_start3A_137] : memref<32x105x2x96xi32, #tpu.memory_space<hbm>> -> memref<1x1x2x96xi32, #tpu.memory_space<hbm>>
          %dma_start3A_139 = tpu.memref_squeeze %dma_start3A_138 : memref<1x1x2x96xi32, #tpu.memory_space<hbm>> -> memref<2x96xi32, #tpu.memory_space<hbm>>
          %dma_start3A_140 = arith.constant 0 : i32
          %dma_start3A_141 = arith.constant 0 : i32
          %dma_start3A_142 = tpu.memref_slice %arg2[%add3A, %add3A_127, %dma_start3A_140, %dma_start3A_141] : memref<32x105x2x96xi32, #tpu.memory_space<hbm>> -> memref<1x1x2x96xi32, #tpu.memory_space<hbm>>
          %dma_start3A_143 = tpu.memref_squeeze %dma_start3A_142 : memref<1x1x2x96xi32, #tpu.memory_space<hbm>> -> memref<2x96xi32, #tpu.memory_space<hbm>>
          tpu.enqueue_dma source(%dma_start3A_143 : memref<2x96xi32, #tpu.memory_space<hbm>>) target(%arg7 : memref<2x96xi32, #tpu.memory_space<vmem>>) target_semaphore(%run_scoped3A_135 : memref<!tpu.dma_semaphore, #tpu.memory_space<semaphore_mem>>)
          %dma_wait3A_144 = arith.constant 0 : i32
          %dma_wait3A_145 = arith.constant 0 : i32
          %dma_wait3A_146 = tpu.memref_slice %arg2[%add3A, %add3A_127, %dma_wait3A_144, %dma_wait3A_145] : memref<32x105x2x96xi32, #tpu.memory_space<hbm>> -> memref<1x1x2x96xi32, #tpu.memory_space<hbm>>
          %dma_wait3A_147 = tpu.memref_squeeze %dma_wait3A_146 : memref<1x1x2x96xi32, #tpu.memory_space<hbm>> -> memref<2x96xi32, #tpu.memory_space<hbm>>
          %dma_wait3A_148 = arith.constant 0 : i32
          %dma_wait3A_149 = arith.constant 0 : i32
          %dma_wait3A_150 = tpu.memref_slice %arg2[%add3A, %add3A_127, %dma_wait3A_148, %dma_wait3A_149] : memref<32x105x2x96xi32, #tpu.memory_space<hbm>> -> memref<1x1x2x96xi32, #tpu.memory_space<hbm>>
          %dma_wait3A_151 = tpu.memref_squeeze %dma_wait3A_150 : memref<1x1x2x96xi32, #tpu.memory_space<hbm>> -> memref<2x96xi32, #tpu.memory_space<hbm>>
          tpu.wait_dma2 semaphore(%run_scoped3A_135 : memref<!tpu.dma_semaphore, #tpu.memory_space<semaphore_mem>>) src(%dma_wait3A_151 : memref<2x96xi32, #tpu.memory_space<hbm>>) dst(%arg7 : memref<2x96xi32, #tpu.memory_space<vmem>>)
          tpu.yield
        }) : () -> ()
        %dma_start3A_128 = arith.constant 0 : i32
        %dma_start3A_129 = arith.constant 0 : i32
        %dma_start3A_130 = tpu.memref_slice %arg7[%dma_start3A_128, %dma_start3A_129] : memref<2x96xi32, #tpu.memory_space<vmem>> -> memref<1x96xi32, #tpu.memory_space<vmem>>
        %dma_start3A_131 = tpu.memref_squeeze %dma_start3A_130 : memref<1x96xi32, #tpu.memory_space<vmem>> -> memref<96xi32, #tpu.memory_space<vmem>>
        %dma_start3A_132 = arith.constant 0 : i32
        %dma_start3A_133 = arith.constant 0 : i32
        %dma_start3A_134 = tpu.memref_slice %arg3[%dma_start3A_132, %dma_start3A_133] : memref<10000x128xf32, #tpu.memory_space<hbm>> -> memref<10000x128xf32, #tpu.memory_space<hbm>>
        tpu.enqueue_indirect_dma source(%dma_start3A_134 : memref<10000x128xf32, #tpu.memory_space<hbm>>) target(%arg10 : memref<96x128xf32, #tpu.memory_space<vmem>>) offsets(%dma_start3A_131 : memref<96xi32, #tpu.memory_space<vmem>>) semaphore(%arg14 : memref<!tpu.dma_semaphore, #tpu.memory_space<semaphore_mem>>)
      } else {
      }
      %dma_wait3A_108 = arith.constant 1 : i32
      %dma_wait3A_109 = arith.constant 0 : i32
      %dma_wait3A_110 = tpu.memref_slice %arg8[%dma_wait3A_108, %dma_wait3A_109] : memref<2x96xi32, #tpu.memory_space<vmem>> -> memref<1x96xi32, #tpu.memory_space<vmem>>
      %dma_wait3A_111 = tpu.memref_squeeze %dma_wait3A_110 : memref<1x96xi32, #tpu.memory_space<vmem>> -> memref<96xi32, #tpu.memory_space<vmem>>
      %dma_wait3A_112 = arith.constant 0 : i32
      %dma_wait3A_113 = arith.constant 0 : i32
      %dma_wait3A_114 = tpu.memref_slice %arg12[%dma_wait3A_112, %dma_wait3A_113] : memref<10240x128xf32, #tpu.memory_space<vmem_shared>> -> memref<10240x128xf32, #tpu.memory_space<vmem_shared>>
      tpu.wait_indirect_dma semaphore(%arg18 : memref<!tpu.dma_semaphore, #tpu.memory_space<semaphore_mem>>) src(%arg11 : memref<96x128xf32, #tpu.memory_space<vmem>>) dst(%dma_wait3A_114 : memref<10240x128xf32, #tpu.memory_space<vmem_shared>>)
      %add3A_115 = arith.constant 3 : i32
      %add3A_116 = arith.addi %mul3A_37, %add3A_115 : i32
      %add3A_117 = arith.constant 2 : i32
      %add3A_118 = arith.addi %add3A_116, %add3A_117 : i32
      %lt3A_119 = arith.constant 105 : i32
      %lt3A_120 = arith.cmpi slt, %add3A_118, %lt3A_119 : i32
      %convert_element_type3A_121 = arith.extui %lt3A_120 : i1 to i32
      %cond3A_122 = arith.constant 0 : i32
      %cond3A_123 = arith.cmpi ne, %convert_element_type3A_121, %cond3A_122 : i32
      scf.if %cond3A_123 {
        %add3A_124 = arith.constant 3 : i32
        %add3A_125 = arith.addi %mul3A_37, %add3A_124 : i32
        %add3A_126 = arith.constant 2 : i32
        %add3A_127 = arith.addi %add3A_125, %add3A_126 : i32
        "tpu.region"() ({
          %run_scoped3A_135 = tpu.sem_alloc : memref<!tpu.dma_semaphore, #tpu.memory_space<semaphore_mem>>
          %dma_start3A_136 = arith.constant 0 : i32
          %dma_start3A_137 = arith.constant 0 : i32
          %dma_start3A_138 = tpu.memref_slice %arg2[%add3A, %add3A_127, %dma_start3A_136, %dma_start3A_137] : memref<32x105x2x96xi32, #tpu.memory_space<hbm>> -> memref<1x1x2x96xi32, #tpu.memory_space<hbm>>
          %dma_start3A_139 = tpu.memref_squeeze %dma_start3A_138 : memref<1x1x2x96xi32, #tpu.memory_space<hbm>> -> memref<2x96xi32, #tpu.memory_space<hbm>>
          %dma_start3A_140 = arith.constant 0 : i32
          %dma_start3A_141 = arith.constant 0 : i32
          %dma_start3A_142 = tpu.memref_slice %arg2[%add3A, %add3A_127, %dma_start3A_140, %dma_start3A_141] : memref<32x105x2x96xi32, #tpu.memory_space<hbm>> -> memref<1x1x2x96xi32, #tpu.memory_space<hbm>>
          %dma_start3A_143 = tpu.memref_squeeze %dma_start3A_142 : memref<1x1x2x96xi32, #tpu.memory_space<hbm>> -> memref<2x96xi32, #tpu.memory_space<hbm>>
          tpu.enqueue_dma source(%dma_start3A_143 : memref<2x96xi32, #tpu.memory_space<hbm>>) target(%arg8 : memref<2x96xi32, #tpu.memory_space<vmem>>) target_semaphore(%run_scoped3A_135 : memref<!tpu.dma_semaphore, #tpu.memory_space<semaphore_mem>>)
          %dma_wait3A_144 = arith.constant 0 : i32
          %dma_wait3A_145 = arith.constant 0 : i32
          %dma_wait3A_146 = tpu.memref_slice %arg2[%add3A, %add3A_127, %dma_wait3A_144, %dma_wait3A_145] : memref<32x105x2x96xi32, #tpu.memory_space<hbm>> -> memref<1x1x2x96xi32, #tpu.memory_space<hbm>>
          %dma_wait3A_147 = tpu.memref_squeeze %dma_wait3A_146 : memref<1x1x2x96xi32, #tpu.memory_space<hbm>> -> memref<2x96xi32, #tpu.memory_space<hbm>>
          %dma_wait3A_148 = arith.constant 0 : i32
          %dma_wait3A_149 = arith.constant 0 : i32
          %dma_wait3A_150 = tpu.memref_slice %arg2[%add3A, %add3A_127, %dma_wait3A_148, %dma_wait3A_149] : memref<32x105x2x96xi32, #tpu.memory_space<hbm>> -> memref<1x1x2x96xi32, #tpu.memory_space<hbm>>
          %dma_wait3A_151 = tpu.memref_squeeze %dma_wait3A_150 : memref<1x1x2x96xi32, #tpu.memory_space<hbm>> -> memref<2x96xi32, #tpu.memory_space<hbm>>
          tpu.wait_dma2 semaphore(%run_scoped3A_135 : memref<!tpu.dma_semaphore, #tpu.memory_space<semaphore_mem>>) src(%dma_wait3A_151 : memref<2x96xi32, #tpu.memory_space<hbm>>) dst(%arg8 : memref<2x96xi32, #tpu.memory_space<vmem>>)
          tpu.yield
        }) : () -> ()
        %dma_start3A_128 = arith.constant 0 : i32
        %dma_start3A_129 = arith.constant 0 : i32
        %dma_start3A_130 = tpu.memref_slice %arg8[%dma_start3A_128, %dma_start3A_129] : memref<2x96xi32, #tpu.memory_space<vmem>> -> memref<1x96xi32, #tpu.memory_space<vmem>>
        %dma_start3A_131 = tpu.memref_squeeze %dma_start3A_130 : memref<1x96xi32, #tpu.memory_space<vmem>> -> memref<96xi32, #tpu.memory_space<vmem>>
        %dma_start3A_132 = arith.constant 0 : i32
        %dma_start3A_133 = arith.constant 0 : i32
        %dma_start3A_134 = tpu.memref_slice %arg3[%dma_start3A_132, %dma_start3A_133] : memref<10000x128xf32, #tpu.memory_space<hbm>> -> memref<10000x128xf32, #tpu.memory_space<hbm>>
        tpu.enqueue_indirect_dma source(%dma_start3A_134 : memref<10000x128xf32, #tpu.memory_space<hbm>>) target(%arg11 : memref<96x128xf32, #tpu.memory_space<vmem>>) offsets(%dma_start3A_131 : memref<96xi32, #tpu.memory_space<vmem>>) semaphore(%arg15 : memref<!tpu.dma_semaphore, #tpu.memory_space<semaphore_mem>>)
      } else {
      }
    }
    %scan3A_29 = arith.constant 35 : i32
    %barrier3A_30 = arith.constant 0 : index
    tpu.barrier barrier_id(%barrier3A_30)
    %mul3A_31 = arith.constant 640 : i32
    %mul3A_32 = arith.muli %arg1, %mul3A_31 : i32
    %mul3A_33 = arith.constant 640 : i32
    %mul3A_34 = arith.muli %arg1, %mul3A_33 : i32
    "tpu.region"() ({
      %run_scoped3A_35 = tpu.sem_alloc : memref<!tpu.dma_semaphore, #tpu.memory_space<semaphore_mem>>
      %dma_start3A_36 = arith.constant 0 : i32
      %dma_start3A_37 = tpu.memref_slice %arg5[%arg0, %mul3A_34, %dma_start3A_36] : memref<2x10240x128xf32, #tpu.memory_space<hbm>> -> memref<1x640x128xf32, #tpu.memory_space<hbm>>
      %dma_start3A_38 = tpu.memref_squeeze %dma_start3A_37 : memref<1x640x128xf32, #tpu.memory_space<hbm>> -> memref<640x128xf32, #tpu.memory_space<hbm>>
      %dma_start3A_39 = arith.constant 0 : i32
      %dma_start3A_40 = tpu.memref_slice %arg12[%mul3A_32, %dma_start3A_39] : memref<10240x128xf32, #tpu.memory_space<vmem_shared>> -> memref<640x128xf32, #tpu.memory_space<vmem_shared>>
      tpu.enqueue_dma source(%dma_start3A_40 : memref<640x128xf32, #tpu.memory_space<vmem_shared>>) target(%dma_start3A_38 : memref<640x128xf32, #tpu.memory_space<hbm>>) target_semaphore(%run_scoped3A_35 : memref<!tpu.dma_semaphore, #tpu.memory_space<semaphore_mem>>)
      %dma_wait3A = arith.constant 0 : i32
      %dma_wait3A_41 = tpu.memref_slice %arg5[%arg0, %mul3A_34, %dma_wait3A] : memref<2x10240x128xf32, #tpu.memory_space<hbm>> -> memref<1x640x128xf32, #tpu.memory_space<hbm>>
      %dma_wait3A_42 = tpu.memref_squeeze %dma_wait3A_41 : memref<1x640x128xf32, #tpu.memory_space<hbm>> -> memref<640x128xf32, #tpu.memory_space<hbm>>
      %dma_wait3A_43 = arith.constant 0 : i32
      %dma_wait3A_44 = tpu.memref_slice %arg12[%mul3A_32, %dma_wait3A_43] : memref<10240x128xf32, #tpu.memory_space<vmem_shared>> -> memref<640x128xf32, #tpu.memory_space<vmem_shared>>
      tpu.wait_dma2 semaphore(%run_scoped3A_35 : memref<!tpu.dma_semaphore, #tpu.memory_space<semaphore_mem>>) src(%dma_wait3A_44 : memref<640x128xf32, #tpu.memory_space<vmem_shared>>) dst(%dma_wait3A_42 : memref<640x128xf32, #tpu.memory_space<hbm>>)
      tpu.yield
    }) : () -> ()
    return
  }
}

module attributes {stable_mosaic.version = 14 : i64} {
  func.func @body(%arg0: i32, %arg1: memref<1000x128xf32, #tpu.memory_space<vmem>>, %arg2: memref<128x128xf32, #tpu.memory_space<vmem>>, %arg3: memref<2x1000x128xf32, #tpu.memory_space<vmem>>, %arg4: memref<1000x128xf32, #tpu.memory_space<vmem>>) attributes {dimension_semantics = [#tpu.dimension_semantics<arbitrary>], iteration_bounds = array<i64: 10>, scalar_prefetch = 0 : i64, scratch_operands = 0 : i64, tpu.core_type = #tpu.core_type<tc>, window_params = [{transform_indices = @transform_0, window_bounds = array<i64: 1000, 128>}, {pipeline_mode = #tpu.pipeline_mode<synchronous>, transform_indices = @transform_1, window_bounds = array<i64: 128, 128>}, {transform_indices = @transform_2, window_bounds = array<i64: 2, 1000, 128>}, {transform_indices = @transform_3, window_bounds = array<i64: 1000, 128>}]} {
    %get3A = arith.constant 0 : index
    %get3A_0 = arith.constant 0 : index
    %get3A_1 = arith.constant 0 : index
    %get3A_2 = vector.load %arg3[%get3A, %get3A_0, %get3A_1] : memref<2x1000x128xf32, #tpu.memory_space<vmem>>, vector<1x1000x1xf32>
    %get3A_3 = vector.shape_cast %get3A_2 : vector<1x1000x1xf32> to vector<1000x1xf32>
    %get3A_4 = arith.constant 1 : index
    %get3A_5 = arith.constant 0 : index
    %get3A_6 = arith.constant 0 : index
    %get3A_7 = vector.load %arg3[%get3A_4, %get3A_5, %get3A_6] : memref<2x1000x128xf32, #tpu.memory_space<vmem>>, vector<1x1000x1xf32>
    %get3A_8 = vector.shape_cast %get3A_7 : vector<1x1000x1xf32> to vector<1000x1xf32>
    %add3A = arith.addf %get3A_3, %get3A_8 : vector<1000x1xf32>
    %add3A_9 = arith.constant 1.000000e+00 : f32
    %add3A_10 = vector.broadcast %add3A_9 : f32 to vector<1000x1xf32>
    %add3A_11 = arith.addf %add3A, %add3A_10 : vector<1000x1xf32>
    %rsqrt3A = math.rsqrt %add3A_11 : vector<1000x1xf32>
    %get3A_12 = arith.constant 0 : index
    %get3A_13 = arith.constant 0 : index
    %get3A_14 = vector.load %arg1[%get3A_12, %get3A_13] : memref<1000x128xf32, #tpu.memory_space<vmem>>, vector<1000x128xf32>
    %get3A_15 = arith.constant 0 : index
    %get3A_16 = arith.constant 0 : index
    %get3A_17 = vector.load %arg2[%get3A_15, %get3A_16] : memref<128x128xf32, #tpu.memory_space<vmem>>, vector<128x128xf32>
    %dot_general3A = arith.constant dense<0.000000e+00> : vector<1000x128xf32>
    %dot_general3A_18 = tpu.matmul %get3A_14, %get3A_17, %dot_general3A {dimension_numbers = #tpu.dot_dimension_numbers<[1], [0], [0], [1], [0, 0, 1, 1], [], []>, transpose_lhs_hint = false} : vector<1000x128xf32>, vector<128x128xf32>, vector<1000x128xf32> -> vector<1000x128xf32>
    %mul3A = vector.broadcast %rsqrt3A : vector<1000x1xf32> to vector<1000x128xf32>
    %mul3A_19 = arith.mulf %dot_general3A_18, %mul3A : vector<1000x128xf32>
    %swap3A = arith.constant 0 : index
    %swap3A_20 = arith.constant 0 : index
    %swap3A_21 = vector.load %arg4[%swap3A, %swap3A_20] : memref<1000x128xf32, #tpu.memory_space<vmem>>, vector<1000x128xf32>
    tpu.vector_store %arg4[%swap3A, %swap3A_20], %mul3A_19 {strides = array<i32>} : memref<1000x128xf32, #tpu.memory_space<vmem>>, vector<1000x128xf32>,
    return
  }
  func.func @transform_0(%arg0: i32) -> (i32, i32) {
    %c0_i32 = arith.constant 0 : i32
    %c0_i32_0 = arith.constant 0 : i32
    return %arg0, %c0_i32 : i32, i32
  }
  func.func @transform_1(%arg0: i32) -> (i32, i32) {
    %c0_i32 = arith.constant 0 : i32
    %c0_i32_0 = arith.constant 0 : i32
    %c0_i32_1 = arith.constant 0 : i32
    return %c0_i32, %c0_i32_0 : i32, i32
  }
  func.func @transform_2(%arg0: i32) -> (i32, i32, i32) {
    %c0_i32 = arith.constant 0 : i32
    %c0_i32_0 = arith.constant 0 : i32
    %c0_i32_1 = arith.constant 0 : i32
    return %c0_i32, %arg0, %c0_i32_0 : i32, i32, i32
  }
  func.func @transform_3(%arg0: i32) -> (i32, i32) {
    %c0_i32 = arith.constant 0 : i32
    %c0_i32_0 = arith.constant 0 : i32
    return %arg0, %c0_i32 : i32, i32
  }
}

module attributes {stable_mosaic.version = 14 : i64} {
  func.func @body(%arg0: i32, %arg1: memref<2x1000x128xf32, #tpu.memory_space<vmem>>, %arg2: memref<1000x128xf32, #tpu.memory_space<vmem>>, %arg3: memref<2x1000x128xf32, #tpu.memory_space<vmem>>, %arg4: memref<1x128xf32, #tpu.memory_space<vmem>>, %arg5: memref<128x128xf32, #tpu.memory_space<vmem>>, %arg6: memref<1000x128xf32, #tpu.memory_space<vmem>>) attributes {dimension_semantics = [#tpu.dimension_semantics<arbitrary>], iteration_bounds = array<i64: 10>, scalar_prefetch = 0 : i64, scratch_operands = 0 : i64, tpu.core_type = #tpu.core_type<tc>, window_params = [{transform_indices = @transform_0, window_bounds = array<i64: 2, 1000, 128>}, {transform_indices = @transform_1, window_bounds = array<i64: 1000, 128>}, {transform_indices = @transform_2, window_bounds = array<i64: 2, 1000, 128>}, {pipeline_mode = #tpu.pipeline_mode<synchronous>, transform_indices = @transform_3, window_bounds = array<i64: 1, 128>}, {pipeline_mode = #tpu.pipeline_mode<synchronous>, transform_indices = @transform_4, window_bounds = array<i64: 128, 128>}, {transform_indices = @transform_5, window_bounds = array<i64: 1000, 128>}]} {
    %get3A = arith.constant 0 : index
    %get3A_0 = arith.constant 0 : index
    %get3A_1 = arith.constant 0 : index
    %get3A_2 = vector.load %arg3[%get3A, %get3A_0, %get3A_1] : memref<2x1000x128xf32, #tpu.memory_space<vmem>>, vector<1x1000x1xf32>
    %get3A_3 = vector.shape_cast %get3A_2 : vector<1x1000x1xf32> to vector<1000x1xf32>
    %get3A_4 = arith.constant 1 : index
    %get3A_5 = arith.constant 0 : index
    %get3A_6 = arith.constant 0 : index
    %get3A_7 = vector.load %arg3[%get3A_4, %get3A_5, %get3A_6] : memref<2x1000x128xf32, #tpu.memory_space<vmem>>, vector<1x1000x1xf32>
    %get3A_8 = vector.shape_cast %get3A_7 : vector<1x1000x1xf32> to vector<1000x1xf32>
    %add3A = arith.addf %get3A_3, %get3A_8 : vector<1000x1xf32>
    %add3A_9 = arith.constant 1.000000e+00 : f32
    %add3A_10 = vector.broadcast %add3A_9 : f32 to vector<1000x1xf32>
    %add3A_11 = arith.addf %add3A, %add3A_10 : vector<1000x1xf32>
    %rsqrt3A = math.rsqrt %add3A_11 : vector<1000x1xf32>
    %get3A_12 = arith.constant 0 : index
    %get3A_13 = arith.constant 0 : index
    %get3A_14 = arith.constant 0 : index
    %get3A_15 = vector.load %arg1[%get3A_12, %get3A_13, %get3A_14] : memref<2x1000x128xf32, #tpu.memory_space<vmem>>, vector<1x1000x128xf32>
    %get3A_16 = vector.shape_cast %get3A_15 : vector<1x1000x128xf32> to vector<1000x128xf32>
    %get3A_17 = arith.constant 1 : index
    %get3A_18 = arith.constant 0 : index
    %get3A_19 = arith.constant 0 : index
    %get3A_20 = vector.load %arg1[%get3A_17, %get3A_18, %get3A_19] : memref<2x1000x128xf32, #tpu.memory_space<vmem>>, vector<1x1000x128xf32>
    %get3A_21 = vector.shape_cast %get3A_20 : vector<1x1000x128xf32> to vector<1000x128xf32>
    %add3A_22 = arith.addf %get3A_16, %get3A_21 : vector<1000x128xf32>
    %get3A_23 = arith.constant 0 : index
    %get3A_24 = arith.constant 0 : index
    %get3A_25 = vector.load %arg2[%get3A_23, %get3A_24] : memref<1000x128xf32, #tpu.memory_space<vmem>>, vector<1000x128xf32>
    %add3A_26 = arith.addf %add3A_22, %get3A_25 : vector<1000x128xf32>
    %mul3A = vector.broadcast %rsqrt3A : vector<1000x1xf32> to vector<1000x128xf32>
    %mul3A_27 = arith.mulf %mul3A, %add3A_26 : vector<1000x128xf32>
    %get3A_28 = arith.constant 0 : index
    %get3A_29 = arith.constant 0 : index
    %get3A_30 = vector.load %arg4[%get3A_28, %get3A_29] : memref<1x128xf32, #tpu.memory_space<vmem>>, vector<1x128xf32>
    %add3A_31 = vector.broadcast %get3A_30 : vector<1x128xf32> to vector<1000x128xf32>
    %add3A_32 = arith.addf %mul3A_27, %add3A_31 : vector<1000x128xf32>
    %max3A = arith.constant 0.000000e+00 : f32
    %max3A_33 = vector.broadcast %max3A : f32 to vector<1000x128xf32>
    %max3A_34 = arith.maximumf %add3A_32, %max3A_33 : vector<1000x128xf32>
    %get3A_35 = arith.constant 0 : index
    %get3A_36 = arith.constant 0 : index
    %get3A_37 = vector.load %arg5[%get3A_35, %get3A_36] : memref<128x128xf32, #tpu.memory_space<vmem>>, vector<128x128xf32>
    %dot_general3A = arith.constant dense<0.000000e+00> : vector<1000x128xf32>
    %dot_general3A_38 = tpu.matmul %max3A_34, %get3A_37, %dot_general3A {dimension_numbers = #tpu.dot_dimension_numbers<[1], [0], [0], [1], [0, 0, 1, 1], [], []>, transpose_lhs_hint = false} : vector<1000x128xf32>, vector<128x128xf32>, vector<1000x128xf32> -> vector<1000x128xf32>
    %mul3A_39 = vector.broadcast %rsqrt3A : vector<1000x1xf32> to vector<1000x128xf32>
    %mul3A_40 = arith.mulf %dot_general3A_38, %mul3A_39 : vector<1000x128xf32>
    %swap3A = arith.constant 0 : index
    %swap3A_41 = arith.constant 0 : index
    %swap3A_42 = vector.load %arg6[%swap3A, %swap3A_41] : memref<1000x128xf32, #tpu.memory_space<vmem>>, vector<1000x128xf32>
    tpu.vector_store %arg6[%swap3A, %swap3A_41], %mul3A_40 {strides = array<i32>} : memref<1000x128xf32, #tpu.memory_space<vmem>>, vector<1000x128xf32>,
    return
  }
  func.func @transform_0(%arg0: i32) -> (i32, i32, i32) {
    %c0_i32 = arith.constant 0 : i32
    %c0_i32_0 = arith.constant 0 : i32
    %c0_i32_1 = arith.constant 0 : i32
    return %c0_i32, %arg0, %c0_i32_0 : i32, i32, i32
  }
  func.func @transform_1(%arg0: i32) -> (i32, i32) {
    %c0_i32 = arith.constant 0 : i32
    %c0_i32_0 = arith.constant 0 : i32
    return %arg0, %c0_i32 : i32, i32
  }
  func.func @transform_2(%arg0: i32) -> (i32, i32, i32) {
    %c0_i32 = arith.constant 0 : i32
    %c0_i32_0 = arith.constant 0 : i32
    %c0_i32_1 = arith.constant 0 : i32
    return %c0_i32, %arg0, %c0_i32_0 : i32, i32, i32
  }
  func.func @transform_3(%arg0: i32) -> (i32, i32) {
    %c0_i32 = arith.constant 0 : i32
    %c0_i32_0 = arith.constant 0 : i32
    %c0_i32_1 = arith.constant 0 : i32
    return %c0_i32, %c0_i32_0 : i32, i32
  }
  func.func @transform_4(%arg0: i32) -> (i32, i32) {
    %c0_i32 = arith.constant 0 : i32
    %c0_i32_0 = arith.constant 0 : i32
    %c0_i32_1 = arith.constant 0 : i32
    return %c0_i32, %c0_i32_0 : i32, i32
  }
  func.func @transform_5(%arg0: i32) -> (i32, i32) {
    %c0_i32 = arith.constant 0 : i32
    %c0_i32_0 = arith.constant 0 : i32
    return %arg0, %c0_i32 : i32, i32
  }
}

module attributes {stable_mosaic.version = 14 : i64} {
  func.func @body(%arg0: i32, %arg1: memref<2x1000x128xf32, #tpu.memory_space<vmem>>, %arg2: memref<1000x128xf32, #tpu.memory_space<vmem>>, %arg3: memref<2x1000x128xf32, #tpu.memory_space<vmem>>, %arg4: memref<1x128xf32, #tpu.memory_space<vmem>>, %arg5: memref<1x1x1000xi32, #tpu.memory_space<vmem>>, %arg6: memref<128x128xf32, #tpu.memory_space<vmem>>, %arg7: memref<1x128xf32, #tpu.memory_space<vmem>>, %arg8: memref<128x128xf32, #tpu.memory_space<vmem>>, %arg9: memref<1x128xf32, #tpu.memory_space<vmem>>, %arg10: memref<16x128xf32, #tpu.memory_space<vmem>>, %arg11: memref<16x128xf32, #tpu.memory_space<vmem>>, %arg12: memref<16x1xf32, #tpu.memory_space<vmem>>) attributes {dimension_semantics = [#tpu.dimension_semantics<arbitrary>], iteration_bounds = array<i64: 10>, scalar_prefetch = 0 : i64, scratch_operands = 2 : i64, tpu.core_type = #tpu.core_type<tc>, window_params = [{transform_indices = @transform_0, window_bounds = array<i64: 2, 1000, 128>}, {transform_indices = @transform_1, window_bounds = array<i64: 1000, 128>}, {transform_indices = @transform_2, window_bounds = array<i64: 2, 1000, 128>}, {pipeline_mode = #tpu.pipeline_mode<synchronous>, transform_indices = @transform_3, window_bounds = array<i64: 1, 128>}, {transform_indices = @transform_4, window_bounds = array<i64: 1, 1, 1000>}, {pipeline_mode = #tpu.pipeline_mode<synchronous>, transform_indices = @transform_5, window_bounds = array<i64: 128, 128>}, {pipeline_mode = #tpu.pipeline_mode<synchronous>, transform_indices = @transform_6, window_bounds = array<i64: 1, 128>}, {pipeline_mode = #tpu.pipeline_mode<synchronous>, transform_indices = @transform_7, window_bounds = array<i64: 128, 128>}, {pipeline_mode = #tpu.pipeline_mode<synchronous>, transform_indices = @transform_8, window_bounds = array<i64: 1, 128>}, {pipeline_mode = #tpu.pipeline_mode<synchronous>, transform_indices = @transform_9, window_bounds = array<i64: 16, 128>}]} {
    %eq3A = arith.constant 0 : i32
    %eq3A_0 = arith.cmpi eq, %arg0, %eq3A : i32
    %convert_element_type3A = arith.extui %eq3A_0 : i1 to i32
    %cond3A = arith.constant 0 : i32
    %cond3A_1 = arith.cmpi ne, %convert_element_type3A, %cond3A : i32
    scf.if %cond3A_1 {
      %broadcast_in_dim3A_67 = arith.constant 0.000000e+00 : f32
      %broadcast_in_dim3A_68 = vector.broadcast %broadcast_in_dim3A_67 : f32 to vector<16x128xf32>
      %swap3A_69 = arith.constant 0 : index
      %swap3A_70 = arith.constant 0 : index
      %swap3A_71 = vector.load %arg11[%swap3A_69, %swap3A_70] : memref<16x128xf32, #tpu.memory_space<vmem>>, vector<16x128xf32>
      tpu.vector_store %arg11[%swap3A_69, %swap3A_70], %broadcast_in_dim3A_68 {strides = array<i32>} : memref<16x128xf32, #tpu.memory_space<vmem>>, vector<16x128xf32>,
      %broadcast_in_dim3A_72 = arith.constant 0.000000e+00 : f32
      %broadcast_in_dim3A_73 = vector.broadcast %broadcast_in_dim3A_72 : f32 to vector<16x1xf32>
      %swap3A_74 = arith.constant 0 : index
      %swap3A_75 = arith.constant 0 : index
      %swap3A_76 = vector.load %arg12[%swap3A_74, %swap3A_75] : memref<16x1xf32, #tpu.memory_space<vmem>>, vector<16x1xf32>
      tpu.vector_store %arg12[%swap3A_74, %swap3A_75], %broadcast_in_dim3A_73 {strides = array<i32>} : memref<16x1xf32, #tpu.memory_space<vmem>>, vector<16x1xf32>,
    } else {
    }
    %get3A = arith.constant 0 : index
    %get3A_2 = arith.constant 0 : index
    %get3A_3 = arith.constant 0 : index
    %get3A_4 = vector.load %arg3[%get3A, %get3A_2, %get3A_3] : memref<2x1000x128xf32, #tpu.memory_space<vmem>>, vector<1x1000x1xf32>
    %get3A_5 = vector.shape_cast %get3A_4 : vector<1x1000x1xf32> to vector<1000x1xf32>
    %get3A_6 = arith.constant 1 : index
    %get3A_7 = arith.constant 0 : index
    %get3A_8 = arith.constant 0 : index
    %get3A_9 = vector.load %arg3[%get3A_6, %get3A_7, %get3A_8] : memref<2x1000x128xf32, #tpu.memory_space<vmem>>, vector<1x1000x1xf32>
    %get3A_10 = vector.shape_cast %get3A_9 : vector<1x1000x1xf32> to vector<1000x1xf32>
    %add3A = arith.addf %get3A_5, %get3A_10 : vector<1000x1xf32>
    %add3A_11 = arith.constant 1.000000e+00 : f32
    %add3A_12 = vector.broadcast %add3A_11 : f32 to vector<1000x1xf32>
    %add3A_13 = arith.addf %add3A, %add3A_12 : vector<1000x1xf32>
    %rsqrt3A = math.rsqrt %add3A_13 : vector<1000x1xf32>
    %get3A_14 = arith.constant 0 : index
    %get3A_15 = arith.constant 0 : index
    %get3A_16 = arith.constant 0 : index
    %get3A_17 = vector.load %arg1[%get3A_14, %get3A_15, %get3A_16] : memref<2x1000x128xf32, #tpu.memory_space<vmem>>, vector<1x1000x128xf32>
    %get3A_18 = vector.shape_cast %get3A_17 : vector<1x1000x128xf32> to vector<1000x128xf32>
    %get3A_19 = arith.constant 1 : index
    %get3A_20 = arith.constant 0 : index
    %get3A_21 = arith.constant 0 : index
    %get3A_22 = vector.load %arg1[%get3A_19, %get3A_20, %get3A_21] : memref<2x1000x128xf32, #tpu.memory_space<vmem>>, vector<1x1000x128xf32>
    %get3A_23 = vector.shape_cast %get3A_22 : vector<1x1000x128xf32> to vector<1000x128xf32>
    %add3A_24 = arith.addf %get3A_18, %get3A_23 : vector<1000x128xf32>
    %get3A_25 = arith.constant 0 : index
    %get3A_26 = arith.constant 0 : index
    %get3A_27 = vector.load %arg2[%get3A_25, %get3A_26] : memref<1000x128xf32, #tpu.memory_space<vmem>>, vector<1000x128xf32>
    %add3A_28 = arith.addf %add3A_24, %get3A_27 : vector<1000x128xf32>
    %mul3A = vector.broadcast %rsqrt3A : vector<1000x1xf32> to vector<1000x128xf32>
    %mul3A_29 = arith.mulf %mul3A, %add3A_28 : vector<1000x128xf32>
    %get3A_30 = arith.constant 0 : index
    %get3A_31 = arith.constant 0 : index
    %get3A_32 = vector.load %arg4[%get3A_30, %get3A_31] : memref<1x128xf32, #tpu.memory_space<vmem>>, vector<1x128xf32>
    %add3A_33 = vector.broadcast %get3A_32 : vector<1x128xf32> to vector<1000x128xf32>
    %add3A_34 = arith.addf %mul3A_29, %add3A_33 : vector<1000x128xf32>
    %max3A = arith.constant 0.000000e+00 : f32
    %max3A_35 = vector.broadcast %max3A : f32 to vector<1000x128xf32>
    %max3A_36 = arith.maximumf %add3A_34, %max3A_35 : vector<1000x128xf32>
    %get3A_37 = arith.constant 0 : index
    %get3A_38 = arith.constant 0 : index
    %get3A_39 = arith.constant 0 : index
    %get3A_40 = vector.load %arg5[%get3A_37, %get3A_38, %get3A_39] : memref<1x1x1000xi32, #tpu.memory_space<vmem>>, vector<1x1x1000xi32>
    %get3A_41 = vector.shape_cast %get3A_40 : vector<1x1x1000xi32> to vector<1000xi32>
    %broadcast_in_dim3A = vector.shape_cast %get3A_41 : vector<1000xi32> to vector<1x1000xi32>
    %iota3A = tpu.iota {dimensions = array<i32: 0>} : vector<16x1000xi32>
    %eq3A_42 = vector.broadcast %broadcast_in_dim3A : vector<1x1000xi32> to vector<16x1000xi32>
    %eq3A_43 = arith.cmpi eq, %eq3A_42, %iota3A : vector<16x1000xi32>
    %convert_element_type3A_44 = arith.extui %eq3A_43 : vector<16x1000xi1> to vector<16x1000xi32>
    %convert_element_type3A_45 = arith.sitofp %convert_element_type3A_44 : vector<16x1000xi32> to vector<16x1000xf32>
    %get3A_46 = arith.constant 0 : index
    %get3A_47 = arith.constant 0 : index
    %get3A_48 = vector.load %arg11[%get3A_46, %get3A_47] : memref<16x128xf32, #tpu.memory_space<vmem>>, vector<16x128xf32>
    %dot_general3A = arith.constant dense<0.000000e+00> : vector<16x128xf32>
    %dot_general3A_49 = tpu.matmul %convert_element_type3A_45, %max3A_36, %dot_general3A {dimension_numbers = #tpu.dot_dimension_numbers<[1], [0], [0], [1], [0, 0, 1, 1], [], []>, transpose_lhs_hint = false} : vector<16x1000xf32>, vector<1000x128xf32>, vector<16x128xf32> -> vector<16x128xf32>
    %add3A_50 = arith.addf %get3A_48, %dot_general3A_49 : vector<16x128xf32>
    %swap3A = arith.constant 0 : index
    %swap3A_51 = arith.constant 0 : index
    %swap3A_52 = vector.load %arg11[%swap3A, %swap3A_51] : memref<16x128xf32, #tpu.memory_space<vmem>>, vector<16x128xf32>
    tpu.vector_store %arg11[%swap3A, %swap3A_51], %add3A_50 {strides = array<i32>} : memref<16x128xf32, #tpu.memory_space<vmem>>, vector<16x128xf32>,
    %get3A_53 = arith.constant 0 : index
    %get3A_54 = arith.constant 0 : index
    %get3A_55 = vector.load %arg12[%get3A_53, %get3A_54] : memref<16x1xf32, #tpu.memory_space<vmem>>, vector<16x1xf32>
    %reduce_sum3A = arith.constant dense<0.000000e+00> : vector<16xf32>
    %reduce_sum3A_56 = vector.multi_reduction <add>, %convert_element_type3A_45, %reduce_sum3A [1] : vector<16x1000xf32> to vector<16xf32>
    %broadcast_in_dim3A_57 = vector.shape_cast %reduce_sum3A_56 : vector<16xf32> to vector<16x1xf32>
    %add3A_58 = arith.addf %get3A_55, %broadcast_in_dim3A_57 : vector<16x1xf32>
    %swap3A_59 = arith.constant 0 : index
    %swap3A_60 = arith.constant 0 : index
    %swap3A_61 = vector.load %arg12[%swap3A_59, %swap3A_60] : memref<16x1xf32, #tpu.memory_space<vmem>>, vector<16x1xf32>
    tpu.vector_store %arg12[%swap3A_59, %swap3A_60], %add3A_58 {strides = array<i32>} : memref<16x1xf32, #tpu.memory_space<vmem>>, vector<16x1xf32>,
    %eq3A_62 = arith.constant 9 : i32
    %eq3A_63 = arith.cmpi eq, %arg0, %eq3A_62 : i32
    %convert_element_type3A_64 = arith.extui %eq3A_63 : i1 to i32
    %cond3A_65 = arith.constant 0 : i32
    %cond3A_66 = arith.cmpi ne, %convert_element_type3A_64, %cond3A_65 : i32
    scf.if %cond3A_66 {
      %get3A_67 = arith.constant 0 : index
      %get3A_68 = arith.constant 0 : index
      %get3A_69 = vector.load %arg11[%get3A_67, %get3A_68] : memref<16x128xf32, #tpu.memory_space<vmem>>, vector<16x128xf32>
      %get3A_70 = arith.constant 0 : index
      %get3A_71 = arith.constant 0 : index
      %get3A_72 = vector.load %arg12[%get3A_70, %get3A_71] : memref<16x1xf32, #tpu.memory_space<vmem>>, vector<16x1xf32>
      %max3A_73 = arith.constant 1.000000e+00 : f32
      %max3A_74 = vector.broadcast %max3A_73 : f32 to vector<16x1xf32>
      %max3A_75 = arith.maximumf %get3A_72, %max3A_74 : vector<16x1xf32>
      %div3A = vector.broadcast %max3A_75 : vector<16x1xf32> to vector<16x128xf32>
      %div3A_76 = arith.divf %get3A_69, %div3A : vector<16x128xf32>
      %get3A_77 = arith.constant 0 : index
      %get3A_78 = arith.constant 0 : index
      %get3A_79 = vector.load %arg6[%get3A_77, %get3A_78] : memref<128x128xf32, #tpu.memory_space<vmem>>, vector<128x128xf32>
      %dot_general3A_80 = arith.constant dense<0.000000e+00> : vector<16x128xf32>
      %dot_general3A_81 = tpu.matmul %div3A_76, %get3A_79, %dot_general3A_80 {dimension_numbers = #tpu.dot_dimension_numbers<[1], [0], [0], [1], [0, 0, 1, 1], [], []>, transpose_lhs_hint = false} : vector<16x128xf32>, vector<128x128xf32>, vector<16x128xf32> -> vector<16x128xf32>
      %get3A_82 = arith.constant 0 : index
      %get3A_83 = arith.constant 0 : index
      %get3A_84 = vector.load %arg7[%get3A_82, %get3A_83] : memref<1x128xf32, #tpu.memory_space<vmem>>, vector<1x128xf32>
      %add3A_85 = vector.broadcast %get3A_84 : vector<1x128xf32> to vector<16x128xf32>
      %add3A_86 = arith.addf %dot_general3A_81, %add3A_85 : vector<16x128xf32>
      %max3A_87 = arith.constant 0.000000e+00 : f32
      %max3A_88 = vector.broadcast %max3A_87 : f32 to vector<16x128xf32>
      %max3A_89 = arith.maximumf %add3A_86, %max3A_88 : vector<16x128xf32>
      %get3A_90 = arith.constant 0 : index
      %get3A_91 = arith.constant 0 : index
      %get3A_92 = vector.load %arg8[%get3A_90, %get3A_91] : memref<128x128xf32, #tpu.memory_space<vmem>>, vector<128x128xf32>
      %dot_general3A_93 = arith.constant dense<0.000000e+00> : vector<16x128xf32>
      %dot_general3A_94 = tpu.matmul %max3A_89, %get3A_92, %dot_general3A_93 {dimension_numbers = #tpu.dot_dimension_numbers<[1], [0], [0], [1], [0, 0, 1, 1], [], []>, transpose_lhs_hint = false} : vector<16x128xf32>, vector<128x128xf32>, vector<16x128xf32> -> vector<16x128xf32>
      %get3A_95 = arith.constant 0 : index
      %get3A_96 = arith.constant 0 : index
      %get3A_97 = vector.load %arg9[%get3A_95, %get3A_96] : memref<1x128xf32, #tpu.memory_space<vmem>>, vector<1x128xf32>
      %add3A_98 = vector.broadcast %get3A_97 : vector<1x128xf32> to vector<16x128xf32>
      %add3A_99 = arith.addf %dot_general3A_94, %add3A_98 : vector<16x128xf32>
      %iota3A_100 = tpu.iota {dimensions = array<i32: 1>} : vector<16x128xi32>
      %lt3A = arith.constant 10 : i32
      %lt3A_101 = vector.broadcast %lt3A : i32 to vector<16x128xi32>
      %lt3A_102 = arith.cmpi slt, %iota3A_100, %lt3A_101 : vector<16x128xi32>
      %jit3A = arith.constant -1.000000e+30 : f32
      %broadcast_in_dim3A_103 = vector.broadcast %jit3A : f32 to vector<16x128xf32>
      %select_n3A = arith.select %lt3A_102, %add3A_99, %broadcast_in_dim3A_103 : vector<16x128xi1>, vector<16x128xf32>
      %reduce_max3A = arith.constant dense<0xFF800000> : vector<16xf32>
      %reduce_max3A_104 = vector.multi_reduction <maximumf>, %select_n3A, %reduce_max3A [1] : vector<16x128xf32> to vector<16xf32>
      %broadcast_in_dim3A_105 = vector.shape_cast %reduce_max3A_104 : vector<16xf32> to vector<16x1xf32>
      %sub3A = vector.broadcast %broadcast_in_dim3A_105 : vector<16x1xf32> to vector<16x128xf32>
      %sub3A_106 = arith.subf %select_n3A, %sub3A : vector<16x128xf32>
      %exp3A = math.exp %sub3A_106 : vector<16x128xf32>
      %lt3A_107 = arith.constant 10 : i32
      %lt3A_108 = vector.broadcast %lt3A_107 : i32 to vector<16x128xi32>
      %lt3A_109 = arith.cmpi slt, %iota3A_100, %lt3A_108 : vector<16x128xi32>
      %jit3A_110 = arith.constant 0.000000e+00 : f32
      %broadcast_in_dim3A_111 = vector.broadcast %jit3A_110 : f32 to vector<16x128xf32>
      %select_n3A_112 = arith.select %lt3A_109, %exp3A, %broadcast_in_dim3A_111 : vector<16x128xi1>, vector<16x128xf32>
      %reduce_sum3A_113 = arith.constant dense<0.000000e+00> : vector<16xf32>
      %reduce_sum3A_114 = vector.multi_reduction <add>, %select_n3A_112, %reduce_sum3A_113 [1] : vector<16x128xf32> to vector<16xf32>
      %broadcast_in_dim3A_115 = vector.shape_cast %reduce_sum3A_114 : vector<16xf32> to vector<16x1xf32>
      %div3A_116 = vector.broadcast %broadcast_in_dim3A_115 : vector<16x1xf32> to vector<16x128xf32>
      %div3A_117 = arith.divf %select_n3A_112, %div3A_116 : vector<16x128xf32>
      %swap3A_118 = arith.constant 0 : index
      %swap3A_119 = arith.constant 0 : index
      %swap3A_120 = vector.load %arg10[%swap3A_118, %swap3A_119] : memref<16x128xf32, #tpu.memory_space<vmem>>, vector<16x128xf32>
      tpu.vector_store %arg10[%swap3A_118, %swap3A_119], %div3A_117 {strides = array<i32>} : memref<16x128xf32, #tpu.memory_space<vmem>>, vector<16x128xf32>,
    } else {
    }
    return
  }
  func.func @transform_0(%arg0: i32) -> (i32, i32, i32) {
    %c0_i32 = arith.constant 0 : i32
    %c0_i32_0 = arith.constant 0 : i32
    %c0_i32_1 = arith.constant 0 : i32
    return %c0_i32, %arg0, %c0_i32_0 : i32, i32, i32
  }
  func.func @transform_1(%arg0: i32) -> (i32, i32) {
    %c0_i32 = arith.constant 0 : i32
    %c0_i32_0 = arith.constant 0 : i32
    return %arg0, %c0_i32 : i32, i32
  }
  func.func @transform_2(%arg0: i32) -> (i32, i32, i32) {
    %c0_i32 = arith.constant 0 : i32
    %c0_i32_0 = arith.constant 0 : i32
    %c0_i32_1 = arith.constant 0 : i32
    return %c0_i32, %arg0, %c0_i32_0 : i32, i32, i32
  }
  func.func @transform_3(%arg0: i32) -> (i32, i32) {
    %c0_i32 = arith.constant 0 : i32
    %c0_i32_0 = arith.constant 0 : i32
    %c0_i32_1 = arith.constant 0 : i32
    return %c0_i32, %c0_i32_0 : i32, i32
  }
  func.func @transform_4(%arg0: i32) -> (i32, i32, i32) {
    %c0_i32 = arith.constant 0 : i32
    %c0_i32_0 = arith.constant 0 : i32
    %c0_i32_1 = arith.constant 0 : i32
    return %arg0, %c0_i32, %c0_i32_0 : i32, i32, i32
  }
  func.func @transform_5(%arg0: i32) -> (i32, i32) {
    %c0_i32 = arith.constant 0 : i32
    %c0_i32_0 = arith.constant 0 : i32
    %c0_i32_1 = arith.constant 0 : i32
    return %c0_i32, %c0_i32_0 : i32, i32
  }
  func.func @transform_6(%arg0: i32) -> (i32, i32) {
    %c0_i32 = arith.constant 0 : i32
    %c0_i32_0 = arith.constant 0 : i32
    %c0_i32_1 = arith.constant 0 : i32
    return %c0_i32, %c0_i32_0 : i32, i32
  }
  func.func @transform_7(%arg0: i32) -> (i32, i32) {
    %c0_i32 = arith.constant 0 : i32
    %c0_i32_0 = arith.constant 0 : i32
    %c0_i32_1 = arith.constant 0 : i32
    return %c0_i32, %c0_i32_0 : i32, i32
  }
  func.func @transform_8(%arg0: i32) -> (i32, i32) {
    %c0_i32 = arith.constant 0 : i32
    %c0_i32_0 = arith.constant 0 : i32
    %c0_i32_1 = arith.constant 0 : i32
    return %c0_i32, %c0_i32_0 : i32, i32
  }
  func.func @transform_9(%arg0: i32) -> (i32, i32) {
    %c0_i32 = arith.constant 0 : i32
    %c0_i32_0 = arith.constant 0 : i32
    %c0_i32_1 = arith.constant 0 : i32
    return %c0_i32, %c0_i32_0 : i32, i32
  }
}

</mosaic_0001>

<sc_bundles>
// kernel: kernel.11.cloned.1.call-start
scs
__scs_entry_jumppad:
0x0: {  	(pc) =	sbr.rel $0x88, $3  }
0x1: {  	(tag) =	ssettag $0x0;
	lr =	simm.s32 $0x1  }
0x2: {  	[smem:$0x3F96] =	sst lr;
	_ =	strace $0xD0000000  }
0x3: {  	_ = 	snop  }
0x4: {  	_ = 	snop  }
0x5: {  	_ = 	snop  }
0x6: {  	_ = 	snop  }
0x7: {  	_ = 	snop  }
__scs_overlays_trampoline_lowered:
0x8: {  	[smem:$0x3FA5] =	sst s0  }
0x9: {  	[smem:$0x3FA6] =	sst s1  }
0xa: {  	[smem:$0x3FA7] =	sst s2  }
0xb: {  	[smem:$0x3FA8] =	sst s3  }
0xc: {  	[smem:$0x3FA9] =	sst s4  }
0xd: {  	[smem:$0x3FAA] =	sst s5  }
0xe: {  	[smem:$0x3FAB] =	sst s6  }
0xf: {  	[smem:$0x3FAC] =	sst s7  }
0x10: {  	[smem:$0x3FAD] =	sst s8  }
0x11: {  	[smem:$0x3FAE] =	sst s9;
	s0 =	simm.s32 @!p0 $0x0  }
0x12: {  	s1 =	sld [smem:$0x3F94];
	s0 =	simm.s32 @p0 $0x1  }
0x13: {  	[smem:$0x3FAF] =	sst s0;
	s0 =	simm.s32 @!p1 $0x0  }
0x14: {  	s2 =	sld [smem:$0x3F93];
	s0 =	simm.s32 @p1 $0x1  }
0x15: {  	[smem:$0x3FB0] =	sst s0;
	s0 =	simm.s32 @!p2 $0x0  }
0x16: {  	s3 =	sld [smem:$0x3FDB];
	s0 =	simm.s32 @p2 $0x1  }
0x17: {  	s4 =	simm.s32 $0x1BF5;
	[smem:$0x3FB2] =	sst s0  }
0x18: {  	s0 =	sld [smem:$0x3F95];
	_ =	swait.ge [sflag:s4], $0x0  }
0x19: {  	s7 =	sld [smem:$0x3F96]  }
0x1a: {  	s8 =	sadd.s32 $0xFFFFE003, lr  }
0x1b: {  	s9 =	sadd.s32 $0xFFFFFEF7, lr;
	s5 =	simm.s32 $0xFFFFFFFF;
	p2 =	slt.u32 s8, $0xFFFFF086  }
0x1c: {  	p1 =	slt.u32 s9, $0xF7A;
	s5 =	simm.s32 @!p2 $0x0  }
0x1d: {  	s5 =	simm.s32 @p1 $0x1;
	p0 =	seq.s32 s7, s2  }
0x1e: {  	s7 =	smul.u32 @!p0 $0xF7A, s2;
	p2 =	seq.s32 @!p0 s5, $0x0  }
0x1f: {  	s9 =	smul.u32 $0xF7A, s1;
	s8 =	simm.s32 @!p0 $0x1BF5;
	p2 =	por !p2, p0  }
0x20: {  	[sflag:s8] =	ssyncset.s32 @!p0 $0xFFFFF086;
	s6 =	sadd.s32 @!p0 s3, s7;
	s7 =	simm.s32 @!p0 $0x108  }
0x21: {  	s3 =	sadd.s32 s3, s9;
	s6 =	sadd.s32 @!p0 $0x88, s6;
	s7 =	simm.s32 @p2 $0x1082  }
0x22: {  	[simem:s7], [sflag:s8] =	dma.local @!p0 [hbm:s6], $0xF7A  }
0x23: {  	s9 =	sor.u32 $0xD0000000, s2;
	s6 =	simm.s32 $0x108;
	_ =	swait.ge @!p0 [sflag:s8], $0x0  }
0x24: {  	s3 =	sadd.s32 $0x88, s3;
	s6 =	simm.s32 @!p1 $0x1082;
	[sflag:s4] =	ssyncset.s32 $0xFFFFF086  }
0x25: {  	[simem:s6], [sflag:s4] =	dma.local [hbm:s3], $0xF7A  }
0x26: {  	[smem:$0x3F96] =	sst s1;
	(tag) =	ssettag s2;
	_ =	strace s9  }
0x27: {  	s1 =	sld [smem:$0x3FA6]  }
0x28: {  	s2 =	sld [smem:$0x3FA7]  }
0x29: {  	s4 =	sld [smem:$0x3FA9]  }
0x2a: {  	p0 =	seq.s32 s5, $0x0;
	s5 =	sld [smem:$0x3FAA]  }
0x2b: {  	s6 =	sld [smem:$0x3FAB]  }
0x2c: {  	s7 =	sld [smem:$0x3FAC]  }
0x2d: {  	s3 =	simm.s32 $0x108;
	s8 =	sld [smem:$0x3FAD]  }
0x2e: {  	s3 =	simm.s32 @!p0 $0x1082;
	s9 =	sld [smem:$0x3FAE]  }
0x2f: {  	lr =	sadd.s32 s0, s3;
	s0 =	sld [smem:$0x3FA5]  }
0x30: {  	s3 =	sld [smem:$0x3FA8]  }
0x31: {  	[smem:$0x3FB1] =	sst s10  }
0x32: {  	s10 =	sld [smem:$0x3FAF];
	_ =	sdelay $0x3  }
0x33: {  	p0 =	seq.s32 s10, $0x1;
	s10 =	sld [smem:$0x3FB1];
	_ =	sdelay $0x3  }
0x34: {  	[smem:$0x3FB1] =	sst s10  }
0x35: {  	s10 =	sld [smem:$0x3FB0];
	_ =	sdelay $0x3  }
0x36: {  	p1 =	seq.s32 s10, $0x1;
	s10 =	sld [smem:$0x3FB1];
	_ =	sdelay $0x3  }
0x37: {  	[smem:$0x3FB1] =	sst s10  }
0x38: {  	s10 =	sld [smem:$0x3FB2]  }
0x39: {  	_ = 	snop;
	(pc) =	sbr.ind lr, $3  }
0x3a: {  	_ = 	snop  }
0x3b: {  	_ = 	snop  }
0x3c: {  	p2 =	seq.s32 s10, $0x1;
	s10 =	sld [smem:$0x3FB1]  }
0x3d: {  	_ =	shalt  }
0x3e: {  	_ =	shalt  }
0x3f: {  	_ =	shalt  }
0x40: {  	_ =	shalt  }
0x41: {  	_ =	shalt  }
0x42: {  	_ =	shalt  }
0x43: {  	_ =	shalt  }
0x44: {  	_ =	shalt  }
0x45: {  	_ =	shalt  }
0x46: {  	_ =	shalt  }
0x47: {  	_ =	shalt  }
0x48: {  	_ =	shalt  }
0x49: {  	_ =	shalt  }
0x4a: {  	_ =	shalt  }
0x4b: {  	_ =	shalt  }
0x4c: {  	_ =	shalt  }
0x4d: {  	_ =	shalt  }
0x4e: {  	_ =	shalt  }
0x4f: {  	_ =	shalt  }
0x50: {  	_ =	shalt  }
0x51: {  	_ =	shalt  }
0x52: {  	_ =	shalt  }
0x53: {  	_ =	shalt  }
0x54: {  	_ =	shalt  }
0x55: {  	_ =	shalt  }
0x56: {  	_ =	shalt  }
0x57: {  	_ =	shalt  }
0x58: {  	_ =	shalt  }
0x59: {  	_ =	shalt  }
0x5a: {  	_ =	shalt  }
0x5b: {  	_ =	shalt  }
0x5c: {  	_ =	shalt  }
0x5d: {  	_ =	shalt  }
0x5e: {  	_ =	shalt  }
0x5f: {  	_ =	shalt  }
0x60: {  	_ =	shalt  }
0x61: {  	_ =	shalt  }
0x62: {  	_ =	shalt  }
0x63: {  	_ =	shalt  }
0x64: {  	_ =	shalt  }
0x65: {  	_ =	shalt  }
0x66: {  	_ =	shalt  }
0x67: {  	_ =	shalt  }
0x68: {  	_ =	shalt  }
0x69: {  	_ =	shalt  }
0x6a: {  	_ =	shalt  }
0x6b: {  	_ =	shalt  }
0x6c: {  	_ =	shalt  }
0x6d: {  	_ =	shalt  }
0x6e: {  	_ =	shalt  }
0x6f: {  	_ =	shalt  }
0x70: {  	_ =	shalt  }
0x71: {  	_ =	shalt  }
0x72: {  	_ =	shalt  }
0x73: {  	_ =	shalt  }
0x74: {  	_ =	shalt  }
0x75: {  	_ =	shalt  }
0x76: {  	_ =	shalt  }
0x77: {  	_ =	shalt  }
0x78: {  	_ =	shalt  }
0x79: {  	_ =	shalt  }
0x7a: {  	_ =	shalt  }
0x7b: {  	_ =	shalt  }
0x7c: {  	_ =	shalt  }
0x7d: {  	_ =	shalt  }
0x7e: {  	_ =	shalt  }
0x7f: {  	_ =	shalt  }
0x80: {  	_ =	shalt  }
0x81: {  	_ =	shalt  }
0x82: {  	_ =	shalt  }
0x83: {  	_ =	shalt  }
0x84: {  	_ =	shalt  }
0x85: {  	_ =	shalt  }
0x86: {  	_ =	shalt  }
0x87: {  	_ =	shalt  }
.Lfunc_end0:
.L_simem_size_0:
called_computation.1_lowered:
.L_overlay_start_0:
0x88: {  	s2 =	sld [smem:$0x3FD9]  }
0x89: {  	s3 =	sld [smem:$0x3FFE];
	_ =	sdelay $0x1  }
0x8a: {  	s1 =	srdreg.scid  }
0x8b: {  	s0 =	sand.u32 $0x1, s1  }
0x8c: {  	s16 =	sshll.u32 s0, $0xA;
	s2 =	sadd.s32 s3, s2  }
0x8d: {  	s2 =	sadd.s32 s2, s16  }
0x8e: {  	[smem:$0x3FBD] =	sst s2  }
0x8f: {  	_ = 	snop  }
0x90: {  	(tm) =	ssettm $0x1  }
0x91: {  	s17 =	sld [smem:$0x3FFB];
	_ =	sdelay $0x3  }
0x92: {  	_ =	strace s17  }
0x93: {  	s2 =	sld [smem:$0x3FFC];
	_ =	sdelay $0x3  }
0x94: {  	_ =	strace s2  }
0x95: {  	s2 =	sld [smem:$0x3FFD];
	_ =	sdelay $0x3  }
0x96: {  	_ =	strace s2  }
0x97: {  	_ =	strace $0x8FFFFFFF  }
0x98: {  	s18 =	sld [smem:$0x3FDB];
	_ =	sdelay $0x1  }
0x99: {  	s19 =	simm.s32 $_scs_section_size  }
0x9a: {  	s4 =	simm.s32 $_size__tile_overlayer_lowered;
	s5 =	simm.s32 $_tile_overlayer_lowered  }
0x9b: {  	s22 =	simm.s32 $0x1BFF;
	s21 =	sshll.u32 s5, $0x1;
	s2 =	sadd.s32 s19, s18  }
0x9c: {  	s6 =	simm.s32 $0x0;
	s20 =	sshll.u32 s4, $0x1;
	s4 =	sadd.s32 s21, s2  }
0x9d: {  	[timem:s6], [sflag:s22] =	dma.local [hbm:s4], s20  }
0x9e: {  	_ =	swait.ge [sflag:s22], s20  }
0x9f: {  	s3 =	ssub.s32 $0x0, s20;
	[sflag:s22] =	ssyncset.done $0x0  }
0xa0: {  	[sflag:s22] =	ssyncadd.s32 s3;
	_ =	sdelay $0x1  }
0xa1: {  	s23 =	simm.s32 $0x1B8B  }
0xa2: {  	_ =	swait.ge [sflag:s23], $0x1  }
0xa3: {  	[sflag:s23] =	ssyncset.done $0x0  }
0xa4: {  	s25 =	simm.s32 $0x1B8E;
	s24 =	sld [smem:$0x3FFE];
	[sflag:s23] =	ssyncadd.s32 $0xFFFFFFFF  }
0xa5: {  	s26 =	simm.s32 $execute0_lowered;
	[smem:$0x3FD2] =	sst s25  }
0xa6: {  	s4 =	sshll.u32 s26, $0x1;
	_ =	strace $0x80000049;
	[dreg:$0x1] =	wrdreg $0xFFFFFFFF  }
0xa7: {  	s28 =	simm.s32 $_size_execute0_lowered;
	s2 =	sadd.s32 s2, s4;
	[dreg:$0x0] =	wrdreg $0x0  }
0xa8: {  	s4 =	sshll.u32 s28, $0x1;
	[dreg:$0x2] =	wrdreg s2  }
0xa9: {  	[dreg:$0x3] =	wrdreg s4  }
0xaa: {  	[dreg:$0x4] =	wrdreg $0xC0  }
0xab: {  	_ =	task [dreg:s6], $0x5FFFF  }
0xac: {  	[dreg:$0x1] =	wrdreg $0xFFFFFFFF  }
0xad: {  	[dreg:$0x0] =	wrdreg $0x60  }
0xae: {  	[dreg:$0x2] =	wrdreg s24  }
0xaf: {  	[dreg:$0x3] =	wrdreg $0x93000  }
0xb0: {  	[dreg:$0x4] =	wrdreg $0x9  }
0xb1: {  	_ =	task.clear_ibuf [dreg:s6], $0x5FFFF;
	_ =	strace $0x90000049  }
0xb2: {  	s29 =	simm.s32 $0x9;
	_ =	strace $0x8000004B  }
0xb3: {  	_ =	swait.ge [sflag:s29], $0x1  }
0xb4: {  	[sflag:s29] =	ssyncadd.s32 $0xFFFFFFFF  }
0xb5: {  	_ =	strace $0x9000004B  }
0xb6: {  	_ =	sfence  }
0xb7: {  	s30 =	sld [smem:$0x0];
	_ =	sdelay $0x2  }
0xb8: {  	s31 =	sshll.u32 s1, $0xD;
	s1 =	sshrl.u32 s1, $0x2  }
0xb9: {  	s3 =	sand.u32 $0x4000, s31;
	s1 =	sadd.s32 s1, s30  }
0xba: {  	s0 =	sor.u32 s3, s0;
	s1 =	sshll.u32 s1, $0x11  }
0xbb: {  	s0 =	sor.u32 s1, s0  }
0xbc: {  	s0 =	sadd.s32 $0x8F2B, s0  }
0xbd: {  	[sflag:s0] =	ssyncadd.remote.s32 $0x1  }
0xbe: {  	_ =	sfence.sel $0xFFFF  }
0xbf: {  	[dreg:$0x0] =	wrdreg $0xFFFFFFFF;
	(pc) =	sbr.abs _section_cstart, $3  }
0xc0: {  	[dreg:$0x1] =	wrdreg $0xFFFFFFFF  }
0xc1: {  	_ =	task.clear_ibuf [dreg:s6], $0x2FFFF;
	_ =	strace $0x9FFFFFFF  }
0xc2: {  	(tm) =	ssettm $0x7FFFFFFF  }
0xc3: {  	_ =	shalt  }
tec
execute0_lowered:
.L_overlay_start_1:
0x0: {  	(tag) =	ssettag $0x1  }
0x1: {  	s0 =	rddreg [dreg:$0x0]  }
0x2: {  	s1 =	rddreg [dreg:$0x1];
	s2 =	srdreg.scid  }
0x3: {  	s3 =	simm.s32 $0x0;
	s11 =	stileid.u32;
	s28 =	simm.s32 $0x180  }
0x4: {  	s29 =	simm.s32 $0x3;
	s30 =	simm.s32 $0x280;
	s31 =	simm.s32 $0x4  }
0x5: {  	s2 =	sand.u32 $0x1, s2;
	[smem:$0x7FF] =	sst s3;
	s7 =	smul.u32 $0x14000, s11  }
0x6: {  	s4 =	sadd.s32 $0x63600, s0;
	s5 =	sadd.s32 $0x7DA00, s0;
	s9 =	smul.u32 $0x50000, s11  }
0x7: {  	s17 =	sadd.s32 $0x10800, s0;
	s21 =	sshll.u32 s11, $0x6;
	s6 =	smul.u32 $0x140000, s2  }
0x8: {  	_ =	strace $0x8000004A;
	[dreg:$0x3] =	wrdreg s17;
	s18 =	sshll.u32 s2, $0x4  }
0x9: {  	s8 =	ssub.s32 $0x2, s2;
	s2 =	smul.u32 $0x69000, s2;
	s17 =	simm.s32 $0x7  }
0xa: {  	s19 =	sshrl.u32 s8, $0x1;
	s20 =	sshrl.u32 s9, $0x2;
	s6 =	sadd.s32 s7, s6  }
0xb: {  	s7 =	sor.u32 s11, s18;
	s11 =	smul.u32 $0x6900, s11;
	s16 =	sadd.s32 s20, s1  }
0xc: {  	s18 =	simm.s32 $0x60;
	s20 =	simm.s32 $0x100;
	s6 =	sshrl.u32 s6, $0x3  }
0xd: {  	s7 =	smul.u32 $0x6900, s7;
	s16 =	sshrl.u32 s16, $0x3;
	s0 =	sadd.s32 s6, s0  }
0xe: {  	s6 =	ssub.s32 s8, s19;
	s2 =	sadd.s32 s11, s2;
	s19 =	simm.s32 $0x300  }
0xf: {  	s10 =	sshrl.u32 s7, $0x3;
	s7 =	sor.u32 $0x1C07, s21;
	s0 =	sadd.s32 $0xA4C00, s0  }
0x10: {  	s24 =	sadd.s32 $0x500, s2;
	s25 =	sadd.s32 $0x400, s2;
	s6 =	smax.u32 s6, $0x1  }
0x11: {  	s15 =	sadd.s32 $0x300, s2;
	s21 =	simm.s32 $0x3300;
	[dreg:$0x6] =	wrdreg s0  }
0x12: {  	s2 =	simm.s32 $0x6;
	s8 =	sadd.s32 s4, s10;
	[dreg:$0x7] =	wrdreg s6  }
0x13: {  	s0 =	sshrl.u32 s24, $0x3;
	s26 =	sshrl.u32 s25, $0x3;
	s24 =	simm.s32 $0x1  }
0x14: {  	s25 =	simm.s32 $0x80;
	s6 =	simm.s32 $0x0;
	s22 =	sadd.s32 $0x20, s8  }
0x15: {  	s23 =	sadd.s32 $0x40, s8;
	s13 =	sadd.s32 s0, s4;
	s14 =	sadd.s32 s26, s4  }
0x16: {  	s26 =	simm.s32 $0x2;
	s0 =	simm.s32 $0x5;
	[dreg:$0x4] =	wrdreg s22  }
0x17: {  	[dreg:$0x5] =	wrdreg s23;
	s22 =	simm.s32 $0x200;
	s23 =	simm.s32 $0x6300  }
.LBB2_1:
0x18: {  	s9 =	rddreg [dreg:$0x3]  }
0x19: {  	[spmem:s16], [sflag:s7] =	dma.local [hbm:s9], $0x2800  }
0x1a: {  	_ =	swait.ge [sflag:s17], $0x2800  }
0x1b: {  	[sflag:s17] =	ssyncset.done $0x0  }
0x1c: {  	[sflag:s17] =	ssyncadd.s32 $0xFFFFD800  }
0x1d: {  	[bflag:$0x0] =	sbarrier.arrive $0xFFFF  }
0x1e: {  	[tilespmem:s3], [sflag:$0x7] =	stream.linear.gather [hbm4b:s8+s3], $0x100, $0x38;
	[tilespmem:$0x1D300] =	vst v63  }
0x1f: {  	_ =	swait.ge [sflag:s17], $0x100  }
0x20: {  	[sflag:s17] =	ssyncset.done $0x0  }
0x21: {  	[sflag:s17] =	ssyncadd.s32 $0xFFFFFF00  }
0x22: {  	[tilespmem:s19], [sflag:$0x1] =	stream.indirect.gather [hbm4b:s5+s18], $0x80, s3, s18, $0xb8;
	[tilespmem:$0x1D300] =	vst v63  }
0x23: {  	s11 =	rddreg [dreg:$0x4]  }
0x24: {  	[tilespmem:s20], [sflag:$0x7] =	stream.linear.gather [hbm4b:s11+s3], $0x100, $0x38;
	[tilespmem:$0x1D300] =	vst v63  }
0x25: {  	_ =	swait.ge [sflag:s17], $0x100  }
0x26: {  	[sflag:s17] =	ssyncset.done $0x0  }
0x27: {  	[sflag:s17] =	ssyncadd.s32 $0xFFFFFF00  }
0x28: {  	[tilespmem:s21], [sflag:$0x2] =	stream.indirect.gather [hbm4b:s5+s18], $0x80, s20, s18, $0xb8;
	[tilespmem:$0x1D300] =	vst v63  }
0x29: {  	s12 =	rddreg [dreg:$0x5]  }
0x2a: {  	[tilespmem:s22], [sflag:$0x7] =	stream.linear.gather [hbm4b:s12+s3], $0x100, $0x38;
	[tilespmem:$0x1D300] =	vst v63  }
0x2b: {  	_ =	swait.ge [sflag:s17], $0x100  }
0x2c: {  	[sflag:s17] =	ssyncset.done $0x0  }
0x2d: {  	[sflag:s17] =	ssyncadd.s32 $0xFFFFFF00  }
0x2e: {  	[tilespmem:s23], [sflag:$0x3] =	stream.indirect.gather [hbm4b:s5+s18], $0x80, s22, s18, $0xb8;
	[tilespmem:$0x1D300] =	vst v63  }
0x2f: {  	_ =	swait.ge [sflag:s24], $0x3000  }
0x30: {  	[sflag:s24] =	ssyncset.done $0x0  }
0x31: {  	[sflag:s24] =	ssyncadd.s32 $0xFFFFD000  }
0x32: {  	[spmem:s1] =	stream.indirect.scatter.add.f32 [tilespmem:s19], [sflag:$0x4], $0x80, s25, s18, $0xb8;
	[tilespmem:$0x1D300] =	vst v63  }
0x33: {  	_ =	swait.ge [sflag:s26], $0x3000  }
0x34: {  	[sflag:s26] =	ssyncset.done $0x0  }
0x35: {  	[sflag:s26] =	ssyncadd.s32 $0xFFFFD000  }
0x36: {  	[spmem:s1] =	stream.indirect.scatter.add.f32 [tilespmem:s21], [sflag:$0x5], $0x80, s28, s18, $0xb8;
	[tilespmem:$0x1D300] =	vst v63  }
0x37: {  	_ =	swait.ge [sflag:s29], $0x3000  }
0x38: {  	[sflag:s29] =	ssyncset.done $0x0  }
0x39: {  	[sflag:s29] =	ssyncadd.s32 $0xFFFFD000  }
0x3a: {  	[spmem:s1] =	stream.indirect.scatter.add.f32 [tilespmem:s23], [sflag:$0x6], $0x80, s30, s18, $0xb8;
	[tilespmem:$0x1D300] =	vst v63  }
0x3b: {  	_ =	swait.ge [sflag:s31], $0x3000  }
0x3c: {  	s10 =	sshrl.u32 s15, $0x3;
	[sflag:s31] =	ssyncset.done $0x0  }
0x3d: {  	s9 =	sadd.s32 s4, s10;
	[sflag:s31] =	ssyncadd.s32 $0xFFFFD000  }
0x3e: {  	[tilespmem:s3], [sflag:$0x7] =	stream.linear.gather [hbm4b:s9+s3], $0x100, $0x38;
	[tilespmem:$0x1D300] =	vst v63  }
0x3f: {  	_ =	swait.ge [sflag:s17], $0x100  }
0x40: {  	[sflag:s17] =	ssyncset.done $0x0  }
0x41: {  	[sflag:s17] =	ssyncadd.s32 $0xFFFFFF00  }
0x42: {  	[tilespmem:s19], [sflag:$0x1] =	stream.indirect.gather [hbm4b:s5+s18], $0x80, s3, s18, $0xb8;
	[tilespmem:$0x1D300] =	vst v63  }
0x43: {  	_ =	swait.ge [sflag:s0], $0x3000  }
0x44: {  	[sflag:s0] =	ssyncset.done $0x0  }
0x45: {  	s11 =	sadd.s32 $0x0, s14;
	[sflag:s0] =	ssyncadd.s32 $0xFFFFD000  }
0x46: {  	[tilespmem:s20], [sflag:$0x7] =	stream.linear.gather [hbm4b:s11+s3], $0x100, $0x38;
	[tilespmem:$0x1D300] =	vst v63  }
0x47: {  	_ =	swait.ge [sflag:s17], $0x100  }
0x48: {  	[sflag:s17] =	ssyncset.done $0x0  }
0x49: {  	[sflag:s17] =	ssyncadd.s32 $0xFFFFFF00  }
0x4a: {  	[tilespmem:s21], [sflag:$0x2] =	stream.indirect.gather [hbm4b:s5+s18], $0x80, s20, s18, $0xb8;
	[tilespmem:$0x1D300] =	vst v63  }
0x4b: {  	_ =	swait.ge [sflag:s2], $0x3000  }
0x4c: {  	[sflag:s2] =	ssyncset.done $0x0  }
0x4d: {  	s12 =	sadd.s32 $0x0, s13;
	[sflag:s2] =	ssyncadd.s32 $0xFFFFD000  }
0x4e: {  	[tilespmem:s22], [sflag:$0x7] =	stream.linear.gather [hbm4b:s12+s3], $0x100, $0x38;
	[tilespmem:$0x1D300] =	vst v63  }
0x4f: {  	_ =	swait.ge [sflag:s17], $0x100  }
0x50: {  	[sflag:s17] =	ssyncset.done $0x0  }
0x51: {  	s10 =	sadd.s32 $0x300, s15;
	s9 =	simm.s32 $0x60;
	[sflag:s17] =	ssyncadd.s32 $0xFFFFFF00  }
.LBB2_2:
0x52: {  	[tilespmem:s23], [sflag:$0x3] =	stream.indirect.gather [hbm4b:s5+s18], $0x80, s22, s18, $0xb8;
	[tilespmem:$0x1D300] =	vst v63  }
0x53: {  	s11 =	smov.u32 s9  }
0x54: {  	p0 =	sne.s32 s9, $0xC60;
	s9 =	sadd.s32 $0x60, s9;
	_ =	swait.ge [sflag:s24], $0x3000  }
0x55: {  	[sflag:s24] =	ssyncset.done $0x0  }
0x56: {  	[sflag:s24] =	ssyncadd.s32 $0xFFFFD000  }
0x57: {  	[spmem:s1] =	stream.indirect.scatter.add.f32 [tilespmem:s19], [sflag:$0x4], $0x80, s25, s18, $0xb8;
	[tilespmem:$0x1D300] =	vst v63  }
0x58: {  	_ =	swait.ge [sflag:s26], $0x3000  }
0x59: {  	[sflag:s26] =	ssyncset.done $0x0  }
0x5a: {  	[sflag:s26] =	ssyncadd.s32 $0xFFFFD000  }
0x5b: {  	[spmem:s1] =	stream.indirect.scatter.add.f32 [tilespmem:s21], [sflag:$0x5], $0x80, s28, s18, $0xb8;
	[tilespmem:$0x1D300] =	vst v63  }
0x5c: {  	_ =	swait.ge [sflag:s29], $0x3000  }
0x5d: {  	[sflag:s29] =	ssyncset.done $0x0  }
0x5e: {  	[sflag:s29] =	ssyncadd.s32 $0xFFFFD000  }
0x5f: {  	[spmem:s1] =	stream.indirect.scatter.add.f32 [tilespmem:s23], [sflag:$0x6], $0x80, s30, s18, $0xb8;
	[tilespmem:$0x1D300] =	vst v63  }
0x60: {  	_ =	swait.ge [sflag:s31], $0x3000  }
0x61: {  	s12 =	sshrl.u32 s10, $0x3;
	[sflag:s31] =	ssyncset.done $0x0  }
0x62: {  	s12 =	sadd.s32 s4, s12;
	[sflag:s31] =	ssyncadd.s32 $0xFFFFD000  }
0x63: {  	[tilespmem:s3], [sflag:$0x7] =	stream.linear.gather [hbm4b:s12+s3], $0x100, $0x38;
	[tilespmem:$0x1D300] =	vst v63  }
0x64: {  	_ =	swait.ge [sflag:s17], $0x100  }
0x65: {  	[sflag:s17] =	ssyncset.done $0x0  }
0x66: {  	[sflag:s17] =	ssyncadd.s32 $0xFFFFFF00  }
0x67: {  	[tilespmem:s19], [sflag:$0x1] =	stream.indirect.gather [hbm4b:s5+s18], $0x80, s3, s18, $0xb8;
	[tilespmem:$0x1D300] =	vst v63  }
0x68: {  	_ =	swait.ge [sflag:s0], $0x3000  }
0x69: {  	[sflag:s0] =	ssyncset.done $0x0  }
0x6a: {  	s12 =	sadd.s32 s11, s14;
	[sflag:s0] =	ssyncadd.s32 $0xFFFFD000  }
0x6b: {  	[tilespmem:s20], [sflag:$0x7] =	stream.linear.gather [hbm4b:s12+s3], $0x100, $0x38;
	[tilespmem:$0x1D300] =	vst v63  }
0x6c: {  	_ =	swait.ge [sflag:s17], $0x100  }
0x6d: {  	[sflag:s17] =	ssyncset.done $0x0  }
0x6e: {  	[sflag:s17] =	ssyncadd.s32 $0xFFFFFF00  }
0x6f: {  	[tilespmem:s21], [sflag:$0x2] =	stream.indirect.gather [hbm4b:s5+s18], $0x80, s20, s18, $0xb8;
	[tilespmem:$0x1D300] =	vst v63  }
0x70: {  	_ =	swait.ge [sflag:s2], $0x3000  }
0x71: {  	[sflag:s2] =	ssyncset.done $0x0  }
.Ltmp0:
0x72: {  	s11 =	sadd.s32 s11, s13;
	[sflag:s2] =	ssyncadd.s32 $0xFFFFD000;
	(pc) =	sbr.rel @p0 .LBB2_2-.Ltmp0, $4  }
0x73: {  	[tilespmem:s22], [sflag:$0x7] =	stream.linear.gather [hbm4b:s11+s3], $0x100, $0x38;
	[tilespmem:$0x1D300] =	vst v63  }
0x74: {  	_ =	swait.ge [sflag:s17], $0x100  }
0x75: {  	[sflag:s17] =	ssyncset.done $0x0  }
0x76: {  	s10 =	sadd.s32 $0x300, s10;
	[sflag:s17] =	ssyncadd.s32 $0xFFFFFF00  }
0x77: {  	[tilespmem:s23], [sflag:$0x3] =	stream.indirect.gather [hbm4b:s5+s18], $0x80, s22, s18, $0xb8;
	[tilespmem:$0x1D300] =	vst v63  }
0x78: {  	_ =	swait.ge [sflag:s24], $0x3000  }
0x79: {  	[sflag:s24] =	ssyncset.done $0x0  }
0x7a: {  	[sflag:s24] =	ssyncadd.s32 $0xFFFFD000  }
0x7b: {  	[spmem:s1] =	stream.indirect.scatter.add.f32 [tilespmem:s19], [sflag:$0x4], $0x80, s25, s18, $0xb8;
	[tilespmem:$0x1D300] =	vst v63  }
0x7c: {  	_ =	swait.ge [sflag:s26], $0x3000  }
0x7d: {  	[sflag:s26] =	ssyncset.done $0x0  }
0x7e: {  	[sflag:s26] =	ssyncadd.s32 $0xFFFFD000  }
0x7f: {  	[spmem:s1] =	stream.indirect.scatter.add.f32 [tilespmem:s21], [sflag:$0x5], $0x80, s28, s18, $0xb8;
	[tilespmem:$0x1D300] =	vst v63  }
0x80: {  	_ =	swait.ge [sflag:s29], $0x3000  }
0x81: {  	[sflag:s29] =	ssyncset.done $0x0  }
0x82: {  	[sflag:s29] =	ssyncadd.s32 $0xFFFFD000  }
0x83: {  	[spmem:s1] =	stream.indirect.scatter.add.f32 [tilespmem:s23], [sflag:$0x6], $0x80, s30, s18, $0xb8;
	[tilespmem:$0x1D300] =	vst v63  }
0x84: {  	_ =	swait.ge [sflag:s31], $0x3000  }
0x85: {  	[sflag:s31] =	ssyncset.done $0x0  }
0x86: {  	[sflag:s31] =	ssyncadd.s32 $0xFFFFD000  }
0x87: {  	_ =	swait.ge [sflag:s0], $0x3000  }
0x88: {  	[sflag:s0] =	ssyncset.done $0x0  }
0x89: {  	[sflag:s0] =	ssyncadd.s32 $0xFFFFD000  }
0x8a: {  	_ =	swait.ge [sflag:s2], $0x3000  }
0x8b: {  	[sflag:s2] =	ssyncset.done $0x0  }
0x8c: {  	[sflag:s2] =	ssyncadd.s32 $0xFFFFD000  }
0x8d: {  	[bflag:$0x0] =	sbarrier.arrive $0xFFFF  }
0x8e: {  	s9 =	rddreg [dreg:$0x6]  }
0x8f: {  	[hbm:s9], [sflag:s7] =	dma.local [spmem:s16], $0x2800  }
0x90: {  	_ =	swait.ge [sflag:s17], $0x2800  }
0x91: {  	s6 =	sadd.s32 $0x1, s6;
	s12 =	rddreg [dreg:$0x7]  }
0x92: {  	p0 =	sne.s32 s6, s12  }
.Ltmp1:
0x93: {  	_ = 	snop;
	(pc) =	sbr.rel @p0 .LBB2_1-.Ltmp1, $3  }
0x94: {  	_ =	sdelay $0x1  }
0x95: {  	[sflag:s17] =	ssyncset.done $0x0  }
0x96: {  	[sflag:s17] =	ssyncadd.s32 $0xFFFFD800  }
0x97: {  	_ =	sfence.sel $0x180000  }
0x98: {  	[bflag:$0x0] =	sbarrier.arrive $0xFFFF  }
0x99: {  	_ =	strace $0x9000004A  }
0x9a: {  	s0 =	stileid.u32;
	[bflag:$0x2] =	sbarrier.arrive $0xFFFF  }
0x9b: {  	p0 =	sne.s32 s0, $0x0;
	s0 =	rddreg [dreg:$0x2]  }
0x9c: {  	s0 =	sadd.s32 @!p0 $0x100000, s0  }
0x9d: {  	[sflag:s0] =	ssyncadd.tile.s32 @!p0 $0x1;
	_ =	shalt  }
.Lfunc_end2:
_tile_overlayer_lowered:
.L_overlay_start_2:
0x9e: {  	(tag) =	ssettag $0x2  }
0x9f: {  	s0 =	rddreg [dreg:$0x0];
	s2 =	stileid.u32  }
0xa0: {  	s1 =	rddreg [dreg:$0x1];
	p0 =	sne.s32 s2, $0x0  }
0xa1: {  	s3 =	rddreg [dreg:$0x2];
	[bflag:$0x3] =	sbarrier.arrive $0xFFFF;
	s2 =	simm.s32 @!p0 $0x1C07  }
0xa2: {  	[timem:s3], [sflag:s2] =	dma.local @!p0 [hbm:s0], s1  }
0xa3: {  	s0 =	simm.s32 @!p0 $0x7  }
0xa4: {  	_ =	swait.ge @!p0 [sflag:s0], s1  }
0xa5: {  	s1 =	ssub.s32 @!p0 $0x0, s1;
	[sflag:s0] =	ssyncset.done @!p0 $0x0  }
0xa6: {  	[sflag:s0] =	ssyncadd.s32 @!p0 s1  }
0xa7: {  	[bflag:$0x3] =	sbarrier.arrive $0xFFFF  }
0xa8: {  	_ =	shalt  }

// kernel: kernel.14.cloned.1.call-start
scs
__scs_entry_jumppad:
0x0: {  	(pc) =	sbr.rel $0x88, $3  }
0x1: {  	(tag) =	ssettag $0x0;
	lr =	simm.s32 $0x1  }
0x2: {  	[smem:$0x3F96] =	sst lr;
	_ =	strace $0xD0000000  }
0x3: {  	_ = 	snop  }
0x4: {  	_ = 	snop  }
0x5: {  	_ = 	snop  }
0x6: {  	_ = 	snop  }
0x7: {  	_ = 	snop  }
__scs_overlays_trampoline_lowered:
0x8: {  	[smem:$0x3FA5] =	sst s0  }
0x9: {  	[smem:$0x3FA6] =	sst s1  }
0xa: {  	[smem:$0x3FA7] =	sst s2  }
0xb: {  	[smem:$0x3FA8] =	sst s3  }
0xc: {  	[smem:$0x3FA9] =	sst s4  }
0xd: {  	[smem:$0x3FAA] =	sst s5  }
0xe: {  	[smem:$0x3FAB] =	sst s6  }
0xf: {  	[smem:$0x3FAC] =	sst s7  }
0x10: {  	[smem:$0x3FAD] =	sst s8  }
0x11: {  	[smem:$0x3FAE] =	sst s9;
	s0 =	simm.s32 @!p0 $0x0  }
0x12: {  	s1 =	sld [smem:$0x3F94];
	s0 =	simm.s32 @p0 $0x1  }
0x13: {  	[smem:$0x3FAF] =	sst s0;
	s0 =	simm.s32 @!p1 $0x0  }
0x14: {  	s2 =	sld [smem:$0x3F93];
	s0 =	simm.s32 @p1 $0x1  }
0x15: {  	[smem:$0x3FB0] =	sst s0;
	s0 =	simm.s32 @!p2 $0x0  }
0x16: {  	s3 =	sld [smem:$0x3FDB];
	s0 =	simm.s32 @p2 $0x1  }
0x17: {  	s4 =	simm.s32 $0x1BF5;
	[smem:$0x3FB2] =	sst s0  }
0x18: {  	s0 =	sld [smem:$0x3F95];
	_ =	swait.ge [sflag:s4], $0x0  }
0x19: {  	s7 =	sld [smem:$0x3F96]  }
0x1a: {  	s8 =	sadd.s32 $0xFFFFE003, lr  }
0x1b: {  	s9 =	sadd.s32 $0xFFFFFEF7, lr;
	s5 =	simm.s32 $0xFFFFFFFF;
	p2 =	slt.u32 s8, $0xFFFFF086  }
0x1c: {  	p1 =	slt.u32 s9, $0xF7A;
	s5 =	simm.s32 @!p2 $0x0  }
0x1d: {  	s5 =	simm.s32 @p1 $0x1;
	p0 =	seq.s32 s7, s2  }
0x1e: {  	s7 =	smul.u32 @!p0 $0xF7A, s2;
	p2 =	seq.s32 @!p0 s5, $0x0  }
0x1f: {  	s9 =	smul.u32 $0xF7A, s1;
	s8 =	simm.s32 @!p0 $0x1BF5;
	p2 =	por !p2, p0  }
0x20: {  	[sflag:s8] =	ssyncset.s32 @!p0 $0xFFFFF086;
	s6 =	sadd.s32 @!p0 s3, s7;
	s7 =	simm.s32 @!p0 $0x108  }
0x21: {  	s3 =	sadd.s32 s3, s9;
	s6 =	sadd.s32 @!p0 $0x88, s6;
	s7 =	simm.s32 @p2 $0x1082  }
0x22: {  	[simem:s7], [sflag:s8] =	dma.local @!p0 [hbm:s6], $0xF7A  }
0x23: {  	s9 =	sor.u32 $0xD0000000, s2;
	s6 =	simm.s32 $0x108;
	_ =	swait.ge @!p0 [sflag:s8], $0x0  }
0x24: {  	s3 =	sadd.s32 $0x88, s3;
	s6 =	simm.s32 @!p1 $0x1082;
	[sflag:s4] =	ssyncset.s32 $0xFFFFF086  }
0x25: {  	[simem:s6], [sflag:s4] =	dma.local [hbm:s3], $0xF7A  }
0x26: {  	[smem:$0x3F96] =	sst s1;
	(tag) =	ssettag s2;
	_ =	strace s9  }
0x27: {  	s1 =	sld [smem:$0x3FA6]  }
0x28: {  	s2 =	sld [smem:$0x3FA7]  }
0x29: {  	s4 =	sld [smem:$0x3FA9]  }
0x2a: {  	p0 =	seq.s32 s5, $0x0;
	s5 =	sld [smem:$0x3FAA]  }
0x2b: {  	s6 =	sld [smem:$0x3FAB]  }
0x2c: {  	s7 =	sld [smem:$0x3FAC]  }
0x2d: {  	s3 =	simm.s32 $0x108;
	s8 =	sld [smem:$0x3FAD]  }
0x2e: {  	s3 =	simm.s32 @!p0 $0x1082;
	s9 =	sld [smem:$0x3FAE]  }
0x2f: {  	lr =	sadd.s32 s0, s3;
	s0 =	sld [smem:$0x3FA5]  }
0x30: {  	s3 =	sld [smem:$0x3FA8]  }
0x31: {  	[smem:$0x3FB1] =	sst s10  }
0x32: {  	s10 =	sld [smem:$0x3FAF];
	_ =	sdelay $0x3  }
0x33: {  	p0 =	seq.s32 s10, $0x1;
	s10 =	sld [smem:$0x3FB1];
	_ =	sdelay $0x3  }
0x34: {  	[smem:$0x3FB1] =	sst s10  }
0x35: {  	s10 =	sld [smem:$0x3FB0];
	_ =	sdelay $0x3  }
0x36: {  	p1 =	seq.s32 s10, $0x1;
	s10 =	sld [smem:$0x3FB1];
	_ =	sdelay $0x3  }
0x37: {  	[smem:$0x3FB1] =	sst s10  }
0x38: {  	s10 =	sld [smem:$0x3FB2]  }
0x39: {  	_ = 	snop;
	(pc) =	sbr.ind lr, $3  }
0x3a: {  	_ = 	snop  }
0x3b: {  	_ = 	snop  }
0x3c: {  	p2 =	seq.s32 s10, $0x1;
	s10 =	sld [smem:$0x3FB1]  }
0x3d: {  	_ =	shalt  }
0x3e: {  	_ =	shalt  }
0x3f: {  	_ =	shalt  }
0x40: {  	_ =	shalt  }
0x41: {  	_ =	shalt  }
0x42: {  	_ =	shalt  }
0x43: {  	_ =	shalt  }
0x44: {  	_ =	shalt  }
0x45: {  	_ =	shalt  }
0x46: {  	_ =	shalt  }
0x47: {  	_ =	shalt  }
0x48: {  	_ =	shalt  }
0x49: {  	_ =	shalt  }
0x4a: {  	_ =	shalt  }
0x4b: {  	_ =	shalt  }
0x4c: {  	_ =	shalt  }
0x4d: {  	_ =	shalt  }
0x4e: {  	_ =	shalt  }
0x4f: {  	_ =	shalt  }
0x50: {  	_ =	shalt  }
0x51: {  	_ =	shalt  }
0x52: {  	_ =	shalt  }
0x53: {  	_ =	shalt  }
0x54: {  	_ =	shalt  }
0x55: {  	_ =	shalt  }
0x56: {  	_ =	shalt  }
0x57: {  	_ =	shalt  }
0x58: {  	_ =	shalt  }
0x59: {  	_ =	shalt  }
0x5a: {  	_ =	shalt  }
0x5b: {  	_ =	shalt  }
0x5c: {  	_ =	shalt  }
0x5d: {  	_ =	shalt  }
0x5e: {  	_ =	shalt  }
0x5f: {  	_ =	shalt  }
0x60: {  	_ =	shalt  }
0x61: {  	_ =	shalt  }
0x62: {  	_ =	shalt  }
0x63: {  	_ =	shalt  }
0x64: {  	_ =	shalt  }
0x65: {  	_ =	shalt  }
0x66: {  	_ =	shalt  }
0x67: {  	_ =	shalt  }
0x68: {  	_ =	shalt  }
0x69: {  	_ =	shalt  }
0x6a: {  	_ =	shalt  }
0x6b: {  	_ =	shalt  }
0x6c: {  	_ =	shalt  }
0x6d: {  	_ =	shalt  }
0x6e: {  	_ =	shalt  }
0x6f: {  	_ =	shalt  }
0x70: {  	_ =	shalt  }
0x71: {  	_ =	shalt  }
0x72: {  	_ =	shalt  }
0x73: {  	_ =	shalt  }
0x74: {  	_ =	shalt  }
0x75: {  	_ =	shalt  }
0x76: {  	_ =	shalt  }
0x77: {  	_ =	shalt  }
0x78: {  	_ =	shalt  }
0x79: {  	_ =	shalt  }
0x7a: {  	_ =	shalt  }
0x7b: {  	_ =	shalt  }
0x7c: {  	_ =	shalt  }
0x7d: {  	_ =	shalt  }
0x7e: {  	_ =	shalt  }
0x7f: {  	_ =	shalt  }
0x80: {  	_ =	shalt  }
0x81: {  	_ =	shalt  }
0x82: {  	_ =	shalt  }
0x83: {  	_ =	shalt  }
0x84: {  	_ =	shalt  }
0x85: {  	_ =	shalt  }
0x86: {  	_ =	shalt  }
0x87: {  	_ =	shalt  }
.Lfunc_end0:
.L_simem_size_0:
called_computation.2_lowered:
.L_overlay_start_0:
0x88: {  	s2 =	sld [smem:$0x3FD9]  }
0x89: {  	s3 =	sld [smem:$0x3FFE];
	_ =	sdelay $0x1  }
0x8a: {  	s1 =	srdreg.scid  }
0x8b: {  	s0 =	sand.u32 $0x1, s1  }
0x8c: {  	s16 =	sshll.u32 s0, $0xA;
	s2 =	sadd.s32 s3, s2  }
0x8d: {  	s2 =	sadd.s32 s2, s16  }
0x8e: {  	[smem:$0x3FBD] =	sst s2  }
0x8f: {  	_ = 	snop  }
0x90: {  	(tm) =	ssettm $0x1  }
0x91: {  	s17 =	sld [smem:$0x3FFB];
	_ =	sdelay $0x3  }
0x92: {  	_ =	strace s17  }
0x93: {  	s2 =	sld [smem:$0x3FFC];
	_ =	sdelay $0x3  }
0x94: {  	_ =	strace s2  }
0x95: {  	s2 =	sld [smem:$0x3FFD];
	_ =	sdelay $0x3  }
0x96: {  	_ =	strace s2  }
0x97: {  	_ =	strace $0x8FFFFFFF  }
0x98: {  	s18 =	sld [smem:$0x3FDB];
	_ =	sdelay $0x1  }
0x99: {  	s19 =	simm.s32 $_scs_section_size  }
0x9a: {  	s4 =	simm.s32 $_size__tile_overlayer_lowered;
	s5 =	simm.s32 $_tile_overlayer_lowered  }
0x9b: {  	s22 =	simm.s32 $0x1BFF;
	s21 =	sshll.u32 s5, $0x1;
	s2 =	sadd.s32 s19, s18  }
0x9c: {  	s6 =	simm.s32 $0x0;
	s20 =	sshll.u32 s4, $0x1;
	s4 =	sadd.s32 s21, s2  }
0x9d: {  	[timem:s6], [sflag:s22] =	dma.local [hbm:s4], s20  }
0x9e: {  	_ =	swait.ge [sflag:s22], s20  }
0x9f: {  	s3 =	ssub.s32 $0x0, s20;
	[sflag:s22] =	ssyncset.done $0x0  }
0xa0: {  	[sflag:s22] =	ssyncadd.s32 s3;
	_ =	sdelay $0x1  }
0xa1: {  	s23 =	simm.s32 $0x1B8B  }
0xa2: {  	_ =	swait.ge [sflag:s23], $0x1  }
0xa3: {  	[sflag:s23] =	ssyncset.done $0x0  }
0xa4: {  	s25 =	simm.s32 $0x1B8E;
	s24 =	sld [smem:$0x3FFE];
	[sflag:s23] =	ssyncadd.s32 $0xFFFFFFFF  }
0xa5: {  	s26 =	simm.s32 $execute0_lowered;
	[smem:$0x3FD2] =	sst s25  }
0xa6: {  	s4 =	sshll.u32 s26, $0x1;
	_ =	strace $0x8000004C;
	[dreg:$0x1] =	wrdreg $0xFFFFFFFF  }
0xa7: {  	s28 =	simm.s32 $_size_execute0_lowered;
	s2 =	sadd.s32 s2, s4;
	[dreg:$0x0] =	wrdreg $0x0  }
0xa8: {  	s4 =	sshll.u32 s28, $0x1;
	[dreg:$0x2] =	wrdreg s2  }
0xa9: {  	[dreg:$0x3] =	wrdreg s4  }
0xaa: {  	[dreg:$0x4] =	wrdreg $0xC0  }
0xab: {  	_ =	task [dreg:s6], $0x5FFFF  }
0xac: {  	[dreg:$0x1] =	wrdreg $0xFFFFFFFF  }
0xad: {  	[dreg:$0x0] =	wrdreg $0x60  }
0xae: {  	[dreg:$0x2] =	wrdreg s24  }
0xaf: {  	[dreg:$0x3] =	wrdreg $0x93000  }
0xb0: {  	[dreg:$0x4] =	wrdreg $0x9  }
0xb1: {  	_ =	task.clear_ibuf [dreg:s6], $0x5FFFF;
	_ =	strace $0x9000004C  }
0xb2: {  	s29 =	simm.s32 $0x9;
	_ =	strace $0x8000004E  }
0xb3: {  	_ =	swait.ge [sflag:s29], $0x1  }
0xb4: {  	[sflag:s29] =	ssyncadd.s32 $0xFFFFFFFF  }
0xb5: {  	_ =	strace $0x9000004E  }
0xb6: {  	_ =	sfence  }
0xb7: {  	s30 =	sld [smem:$0x0];
	_ =	sdelay $0x2  }
0xb8: {  	s31 =	sshll.u32 s1, $0xD;
	s1 =	sshrl.u32 s1, $0x2  }
0xb9: {  	s3 =	sand.u32 $0x4000, s31;
	s1 =	sadd.s32 s1, s30  }
0xba: {  	s0 =	sor.u32 s3, s0;
	s1 =	sshll.u32 s1, $0x11  }
0xbb: {  	s0 =	sor.u32 s1, s0  }
0xbc: {  	s0 =	sadd.s32 $0x8F2B, s0  }
0xbd: {  	[sflag:s0] =	ssyncadd.remote.s32 $0x1  }
0xbe: {  	_ =	sfence.sel $0xFFFF  }
0xbf: {  	[dreg:$0x0] =	wrdreg $0xFFFFFFFF;
	(pc) =	sbr.abs _section_cstart, $3  }
0xc0: {  	[dreg:$0x1] =	wrdreg $0xFFFFFFFF  }
0xc1: {  	_ =	task.clear_ibuf [dreg:s6], $0x2FFFF;
	_ =	strace $0x9FFFFFFF  }
0xc2: {  	(tm) =	ssettm $0x7FFFFFFF  }
0xc3: {  	_ =	shalt  }
tec
execute0_lowered:
.L_overlay_start_1:
0x0: {  	(tag) =	ssettag $0x1  }
0x1: {  	s0 =	rddreg [dreg:$0x0]  }
0x2: {  	s1 =	rddreg [dreg:$0x1];
	s2 =	srdreg.scid  }
0x3: {  	s3 =	simm.s32 $0x0;
	s11 =	stileid.u32;
	s28 =	simm.s32 $0x180  }
0x4: {  	s29 =	simm.s32 $0x3;
	s30 =	simm.s32 $0x280;
	s31 =	simm.s32 $0x4  }
0x5: {  	s2 =	sand.u32 $0x1, s2;
	[smem:$0x7FF] =	sst s3;
	s7 =	smul.u32 $0x14000, s11  }
0x6: {  	s4 =	sadd.s32 $0x63600, s0;
	s5 =	sadd.s32 $0x7DA00, s0;
	s9 =	smul.u32 $0x50000, s11  }
0x7: {  	s17 =	sadd.s32 $0x10800, s0;
	s21 =	sshll.u32 s11, $0x6;
	s6 =	smul.u32 $0x140000, s2  }
0x8: {  	_ =	strace $0x8000004D;
	[dreg:$0x3] =	wrdreg s17;
	s18 =	sshll.u32 s2, $0x4  }
0x9: {  	s8 =	ssub.s32 $0x2, s2;
	s2 =	smul.u32 $0x69000, s2;
	s17 =	simm.s32 $0x7  }
0xa: {  	s19 =	sshrl.u32 s8, $0x1;
	s20 =	sshrl.u32 s9, $0x2;
	s6 =	sadd.s32 s7, s6  }
0xb: {  	s7 =	sor.u32 s11, s18;
	s11 =	smul.u32 $0x6900, s11;
	s16 =	sadd.s32 s20, s1  }
0xc: {  	s18 =	simm.s32 $0x60;
	s20 =	simm.s32 $0x100;
	s6 =	sshrl.u32 s6, $0x3  }
0xd: {  	s7 =	smul.u32 $0x6900, s7;
	s16 =	sshrl.u32 s16, $0x3;
	s0 =	sadd.s32 s6, s0  }
0xe: {  	s6 =	ssub.s32 s8, s19;
	s2 =	sadd.s32 s11, s2;
	s19 =	simm.s32 $0x300  }
0xf: {  	s10 =	sshrl.u32 s7, $0x3;
	s7 =	sor.u32 $0x1C07, s21;
	s0 =	sadd.s32 $0xA4C00, s0  }
0x10: {  	s24 =	sadd.s32 $0x500, s2;
	s25 =	sadd.s32 $0x400, s2;
	s6 =	smax.u32 s6, $0x1  }
0x11: {  	s15 =	sadd.s32 $0x300, s2;
	s21 =	simm.s32 $0x3300;
	[dreg:$0x6] =	wrdreg s0  }
0x12: {  	s2 =	simm.s32 $0x6;
	s8 =	sadd.s32 s4, s10;
	[dreg:$0x7] =	wrdreg s6  }
0x13: {  	s0 =	sshrl.u32 s24, $0x3;
	s26 =	sshrl.u32 s25, $0x3;
	s24 =	simm.s32 $0x1  }
0x14: {  	s25 =	simm.s32 $0x80;
	s6 =	simm.s32 $0x0;
	s22 =	sadd.s32 $0x20, s8  }
0x15: {  	s23 =	sadd.s32 $0x40, s8;
	s13 =	sadd.s32 s0, s4;
	s14 =	sadd.s32 s26, s4  }
0x16: {  	s26 =	simm.s32 $0x2;
	s0 =	simm.s32 $0x5;
	[dreg:$0x4] =	wrdreg s22  }
0x17: {  	[dreg:$0x5] =	wrdreg s23;
	s22 =	simm.s32 $0x200;
	s23 =	simm.s32 $0x6300  }
.LBB2_1:
0x18: {  	s9 =	rddreg [dreg:$0x3]  }
0x19: {  	[spmem:s16], [sflag:s7] =	dma.local [hbm:s9], $0x2800  }
0x1a: {  	_ =	swait.ge [sflag:s17], $0x2800  }
0x1b: {  	[sflag:s17] =	ssyncset.done $0x0  }
0x1c: {  	[sflag:s17] =	ssyncadd.s32 $0xFFFFD800  }
0x1d: {  	[bflag:$0x0] =	sbarrier.arrive $0xFFFF  }
0x1e: {  	[tilespmem:s3], [sflag:$0x7] =	stream.linear.gather [hbm4b:s8+s3], $0x100, $0x38;
	[tilespmem:$0x1D300] =	vst v63  }
0x1f: {  	_ =	swait.ge [sflag:s17], $0x100  }
0x20: {  	[sflag:s17] =	ssyncset.done $0x0  }
0x21: {  	[sflag:s17] =	ssyncadd.s32 $0xFFFFFF00  }
0x22: {  	[tilespmem:s19], [sflag:$0x1] =	stream.indirect.gather [hbm4b:s5+s18], $0x80, s3, s18, $0xb8;
	[tilespmem:$0x1D300] =	vst v63  }
0x23: {  	s11 =	rddreg [dreg:$0x4]  }
0x24: {  	[tilespmem:s20], [sflag:$0x7] =	stream.linear.gather [hbm4b:s11+s3], $0x100, $0x38;
	[tilespmem:$0x1D300] =	vst v63  }
0x25: {  	_ =	swait.ge [sflag:s17], $0x100  }
0x26: {  	[sflag:s17] =	ssyncset.done $0x0  }
0x27: {  	[sflag:s17] =	ssyncadd.s32 $0xFFFFFF00  }
0x28: {  	[tilespmem:s21], [sflag:$0x2] =	stream.indirect.gather [hbm4b:s5+s18], $0x80, s20, s18, $0xb8;
	[tilespmem:$0x1D300] =	vst v63  }
0x29: {  	s12 =	rddreg [dreg:$0x5]  }
0x2a: {  	[tilespmem:s22], [sflag:$0x7] =	stream.linear.gather [hbm4b:s12+s3], $0x100, $0x38;
	[tilespmem:$0x1D300] =	vst v63  }
0x2b: {  	_ =	swait.ge [sflag:s17], $0x100  }
0x2c: {  	[sflag:s17] =	ssyncset.done $0x0  }
0x2d: {  	[sflag:s17] =	ssyncadd.s32 $0xFFFFFF00  }
0x2e: {  	[tilespmem:s23], [sflag:$0x3] =	stream.indirect.gather [hbm4b:s5+s18], $0x80, s22, s18, $0xb8;
	[tilespmem:$0x1D300] =	vst v63  }
0x2f: {  	_ =	swait.ge [sflag:s24], $0x3000  }
0x30: {  	[sflag:s24] =	ssyncset.done $0x0  }
0x31: {  	[sflag:s24] =	ssyncadd.s32 $0xFFFFD000  }
0x32: {  	[spmem:s1] =	stream.indirect.scatter.add.f32 [tilespmem:s19], [sflag:$0x4], $0x80, s25, s18, $0xb8;
	[tilespmem:$0x1D300] =	vst v63  }
0x33: {  	_ =	swait.ge [sflag:s26], $0x3000  }
0x34: {  	[sflag:s26] =	ssyncset.done $0x0  }
0x35: {  	[sflag:s26] =	ssyncadd.s32 $0xFFFFD000  }
0x36: {  	[spmem:s1] =	stream.indirect.scatter.add.f32 [tilespmem:s21], [sflag:$0x5], $0x80, s28, s18, $0xb8;
	[tilespmem:$0x1D300] =	vst v63  }
0x37: {  	_ =	swait.ge [sflag:s29], $0x3000  }
0x38: {  	[sflag:s29] =	ssyncset.done $0x0  }
0x39: {  	[sflag:s29] =	ssyncadd.s32 $0xFFFFD000  }
0x3a: {  	[spmem:s1] =	stream.indirect.scatter.add.f32 [tilespmem:s23], [sflag:$0x6], $0x80, s30, s18, $0xb8;
	[tilespmem:$0x1D300] =	vst v63  }
0x3b: {  	_ =	swait.ge [sflag:s31], $0x3000  }
0x3c: {  	s10 =	sshrl.u32 s15, $0x3;
	[sflag:s31] =	ssyncset.done $0x0  }
0x3d: {  	s9 =	sadd.s32 s4, s10;
	[sflag:s31] =	ssyncadd.s32 $0xFFFFD000  }
0x3e: {  	[tilespmem:s3], [sflag:$0x7] =	stream.linear.gather [hbm4b:s9+s3], $0x100, $0x38;
	[tilespmem:$0x1D300] =	vst v63  }
0x3f: {  	_ =	swait.ge [sflag:s17], $0x100  }
0x40: {  	[sflag:s17] =	ssyncset.done $0x0  }
0x41: {  	[sflag:s17] =	ssyncadd.s32 $0xFFFFFF00  }
0x42: {  	[tilespmem:s19], [sflag:$0x1] =	stream.indirect.gather [hbm4b:s5+s18], $0x80, s3, s18, $0xb8;
	[tilespmem:$0x1D300] =	vst v63  }
0x43: {  	_ =	swait.ge [sflag:s0], $0x3000  }
0x44: {  	[sflag:s0] =	ssyncset.done $0x0  }
0x45: {  	s11 =	sadd.s32 $0x0, s14;
	[sflag:s0] =	ssyncadd.s32 $0xFFFFD000  }
0x46: {  	[tilespmem:s20], [sflag:$0x7] =	stream.linear.gather [hbm4b:s11+s3], $0x100, $0x38;
	[tilespmem:$0x1D300] =	vst v63  }
0x47: {  	_ =	swait.ge [sflag:s17], $0x100  }
0x48: {  	[sflag:s17] =	ssyncset.done $0x0  }
0x49: {  	[sflag:s17] =	ssyncadd.s32 $0xFFFFFF00  }
0x4a: {  	[tilespmem:s21], [sflag:$0x2] =	stream.indirect.gather [hbm4b:s5+s18], $0x80, s20, s18, $0xb8;
	[tilespmem:$0x1D300] =	vst v63  }
0x4b: {  	_ =	swait.ge [sflag:s2], $0x3000  }
0x4c: {  	[sflag:s2] =	ssyncset.done $0x0  }
0x4d: {  	s12 =	sadd.s32 $0x0, s13;
	[sflag:s2] =	ssyncadd.s32 $0xFFFFD000  }
0x4e: {  	[tilespmem:s22], [sflag:$0x7] =	stream.linear.gather [hbm4b:s12+s3], $0x100, $0x38;
	[tilespmem:$0x1D300] =	vst v63  }
0x4f: {  	_ =	swait.ge [sflag:s17], $0x100  }
0x50: {  	[sflag:s17] =	ssyncset.done $0x0  }
0x51: {  	s10 =	sadd.s32 $0x300, s15;
	s9 =	simm.s32 $0x60;
	[sflag:s17] =	ssyncadd.s32 $0xFFFFFF00  }
.LBB2_2:
0x52: {  	[tilespmem:s23], [sflag:$0x3] =	stream.indirect.gather [hbm4b:s5+s18], $0x80, s22, s18, $0xb8;
	[tilespmem:$0x1D300] =	vst v63  }
0x53: {  	s11 =	smov.u32 s9  }
0x54: {  	p0 =	sne.s32 s9, $0xC60;
	s9 =	sadd.s32 $0x60, s9;
	_ =	swait.ge [sflag:s24], $0x3000  }
0x55: {  	[sflag:s24] =	ssyncset.done $0x0  }
0x56: {  	[sflag:s24] =	ssyncadd.s32 $0xFFFFD000  }
0x57: {  	[spmem:s1] =	stream.indirect.scatter.add.f32 [tilespmem:s19], [sflag:$0x4], $0x80, s25, s18, $0xb8;
	[tilespmem:$0x1D300] =	vst v63  }
0x58: {  	_ =	swait.ge [sflag:s26], $0x3000  }
0x59: {  	[sflag:s26] =	ssyncset.done $0x0  }
0x5a: {  	[sflag:s26] =	ssyncadd.s32 $0xFFFFD000  }
0x5b: {  	[spmem:s1] =	stream.indirect.scatter.add.f32 [tilespmem:s21], [sflag:$0x5], $0x80, s28, s18, $0xb8;
	[tilespmem:$0x1D300] =	vst v63  }
0x5c: {  	_ =	swait.ge [sflag:s29], $0x3000  }
0x5d: {  	[sflag:s29] =	ssyncset.done $0x0  }
0x5e: {  	[sflag:s29] =	ssyncadd.s32 $0xFFFFD000  }
0x5f: {  	[spmem:s1] =	stream.indirect.scatter.add.f32 [tilespmem:s23], [sflag:$0x6], $0x80, s30, s18, $0xb8;
	[tilespmem:$0x1D300] =	vst v63  }
0x60: {  	_ =	swait.ge [sflag:s31], $0x3000  }
0x61: {  	s12 =	sshrl.u32 s10, $0x3;
	[sflag:s31] =	ssyncset.done $0x0  }
0x62: {  	s12 =	sadd.s32 s4, s12;
	[sflag:s31] =	ssyncadd.s32 $0xFFFFD000  }
0x63: {  	[tilespmem:s3], [sflag:$0x7] =	stream.linear.gather [hbm4b:s12+s3], $0x100, $0x38;
	[tilespmem:$0x1D300] =	vst v63  }
0x64: {  	_ =	swait.ge [sflag:s17], $0x100  }
0x65: {  	[sflag:s17] =	ssyncset.done $0x0  }
0x66: {  	[sflag:s17] =	ssyncadd.s32 $0xFFFFFF00  }
0x67: {  	[tilespmem:s19], [sflag:$0x1] =	stream.indirect.gather [hbm4b:s5+s18], $0x80, s3, s18, $0xb8;
	[tilespmem:$0x1D300] =	vst v63  }
0x68: {  	_ =	swait.ge [sflag:s0], $0x3000  }
0x69: {  	[sflag:s0] =	ssyncset.done $0x0  }
0x6a: {  	s12 =	sadd.s32 s11, s14;
	[sflag:s0] =	ssyncadd.s32 $0xFFFFD000  }
0x6b: {  	[tilespmem:s20], [sflag:$0x7] =	stream.linear.gather [hbm4b:s12+s3], $0x100, $0x38;
	[tilespmem:$0x1D300] =	vst v63  }
0x6c: {  	_ =	swait.ge [sflag:s17], $0x100  }
0x6d: {  	[sflag:s17] =	ssyncset.done $0x0  }
0x6e: {  	[sflag:s17] =	ssyncadd.s32 $0xFFFFFF00  }
0x6f: {  	[tilespmem:s21], [sflag:$0x2] =	stream.indirect.gather [hbm4b:s5+s18], $0x80, s20, s18, $0xb8;
	[tilespmem:$0x1D300] =	vst v63  }
0x70: {  	_ =	swait.ge [sflag:s2], $0x3000  }
0x71: {  	[sflag:s2] =	ssyncset.done $0x0  }
.Ltmp0:
0x72: {  	s11 =	sadd.s32 s11, s13;
	[sflag:s2] =	ssyncadd.s32 $0xFFFFD000;
	(pc) =	sbr.rel @p0 .LBB2_2-.Ltmp0, $4  }
0x73: {  	[tilespmem:s22], [sflag:$0x7] =	stream.linear.gather [hbm4b:s11+s3], $0x100, $0x38;
	[tilespmem:$0x1D300] =	vst v63  }
0x74: {  	_ =	swait.ge [sflag:s17], $0x100  }
0x75: {  	[sflag:s17] =	ssyncset.done $0x0  }
0x76: {  	s10 =	sadd.s32 $0x300, s10;
	[sflag:s17] =	ssyncadd.s32 $0xFFFFFF00  }
0x77: {  	[tilespmem:s23], [sflag:$0x3] =	stream.indirect.gather [hbm4b:s5+s18], $0x80, s22, s18, $0xb8;
	[tilespmem:$0x1D300] =	vst v63  }
0x78: {  	_ =	swait.ge [sflag:s24], $0x3000  }
0x79: {  	[sflag:s24] =	ssyncset.done $0x0  }
0x7a: {  	[sflag:s24] =	ssyncadd.s32 $0xFFFFD000  }
0x7b: {  	[spmem:s1] =	stream.indirect.scatter.add.f32 [tilespmem:s19], [sflag:$0x4], $0x80, s25, s18, $0xb8;
	[tilespmem:$0x1D300] =	vst v63  }
0x7c: {  	_ =	swait.ge [sflag:s26], $0x3000  }
0x7d: {  	[sflag:s26] =	ssyncset.done $0x0  }
0x7e: {  	[sflag:s26] =	ssyncadd.s32 $0xFFFFD000  }
0x7f: {  	[spmem:s1] =	stream.indirect.scatter.add.f32 [tilespmem:s21], [sflag:$0x5], $0x80, s28, s18, $0xb8;
	[tilespmem:$0x1D300] =	vst v63  }
0x80: {  	_ =	swait.ge [sflag:s29], $0x3000  }
0x81: {  	[sflag:s29] =	ssyncset.done $0x0  }
0x82: {  	[sflag:s29] =	ssyncadd.s32 $0xFFFFD000  }
0x83: {  	[spmem:s1] =	stream.indirect.scatter.add.f32 [tilespmem:s23], [sflag:$0x6], $0x80, s30, s18, $0xb8;
	[tilespmem:$0x1D300] =	vst v63  }
0x84: {  	_ =	swait.ge [sflag:s31], $0x3000  }
0x85: {  	[sflag:s31] =	ssyncset.done $0x0  }
0x86: {  	[sflag:s31] =	ssyncadd.s32 $0xFFFFD000  }
0x87: {  	_ =	swait.ge [sflag:s0], $0x3000  }
0x88: {  	[sflag:s0] =	ssyncset.done $0x0  }
0x89: {  	[sflag:s0] =	ssyncadd.s32 $0xFFFFD000  }
0x8a: {  	_ =	swait.ge [sflag:s2], $0x3000  }
0x8b: {  	[sflag:s2] =	ssyncset.done $0x0  }
0x8c: {  	[sflag:s2] =	ssyncadd.s32 $0xFFFFD000  }
0x8d: {  	[bflag:$0x0] =	sbarrier.arrive $0xFFFF  }
0x8e: {  	s9 =	rddreg [dreg:$0x6]  }
0x8f: {  	[hbm:s9], [sflag:s7] =	dma.local [spmem:s16], $0x2800  }
0x90: {  	_ =	swait.ge [sflag:s17], $0x2800  }
0x91: {  	s6 =	sadd.s32 $0x1, s6;
	s12 =	rddreg [dreg:$0x7]  }
0x92: {  	p0 =	sne.s32 s6, s12  }
.Ltmp1:
0x93: {  	_ = 	snop;
	(pc) =	sbr.rel @p0 .LBB2_1-.Ltmp1, $3  }
0x94: {  	_ =	sdelay $0x1  }
0x95: {  	[sflag:s17] =	ssyncset.done $0x0  }
0x96: {  	[sflag:s17] =	ssyncadd.s32 $0xFFFFD800  }
0x97: {  	_ =	sfence.sel $0x180000  }
0x98: {  	[bflag:$0x0] =	sbarrier.arrive $0xFFFF  }
0x99: {  	_ =	strace $0x9000004D  }
0x9a: {  	s0 =	stileid.u32;
	[bflag:$0x2] =	sbarrier.arrive $0xFFFF  }
0x9b: {  	p0 =	sne.s32 s0, $0x0;
	s0 =	rddreg [dreg:$0x2]  }
0x9c: {  	s0 =	sadd.s32 @!p0 $0x100000, s0  }
0x9d: {  	[sflag:s0] =	ssyncadd.tile.s32 @!p0 $0x1;
	_ =	shalt  }
.Lfunc_end2:
_tile_overlayer_lowered:
.L_overlay_start_2:
0x9e: {  	(tag) =	ssettag $0x2  }
0x9f: {  	s0 =	rddreg [dreg:$0x0];
	s2 =	stileid.u32  }
0xa0: {  	s1 =	rddreg [dreg:$0x1];
	p0 =	sne.s32 s2, $0x0  }
0xa1: {  	s3 =	rddreg [dreg:$0x2];
	[bflag:$0x3] =	sbarrier.arrive $0xFFFF;
	s2 =	simm.s32 @!p0 $0x1C07  }
0xa2: {  	[timem:s3], [sflag:s2] =	dma.local @!p0 [hbm:s0], s1  }
0xa3: {  	s0 =	simm.s32 @!p0 $0x7  }
0xa4: {  	_ =	swait.ge @!p0 [sflag:s0], s1  }
0xa5: {  	s1 =	ssub.s32 @!p0 $0x0, s1;
	[sflag:s0] =	ssyncset.done @!p0 $0x0  }
0xa6: {  	[sflag:s0] =	ssyncadd.s32 @!p0 s1  }
0xa7: {  	[bflag:$0x3] =	sbarrier.arrive $0xFFFF  }
0xa8: {  	_ =	shalt  }

// kernel: kernel.8.cloned.1.call-start
scs
__scs_entry_jumppad:
0x0: {  	(pc) =	sbr.rel $0x88, $3  }
0x1: {  	(tag) =	ssettag $0x0;
	lr =	simm.s32 $0x1  }
0x2: {  	[smem:$0x3F96] =	sst lr;
	_ =	strace $0xD0000000  }
0x3: {  	_ = 	snop  }
0x4: {  	_ = 	snop  }
0x5: {  	_ = 	snop  }
0x6: {  	_ = 	snop  }
0x7: {  	_ = 	snop  }
__scs_overlays_trampoline_lowered:
0x8: {  	[smem:$0x3FA5] =	sst s0  }
0x9: {  	[smem:$0x3FA6] =	sst s1  }
0xa: {  	[smem:$0x3FA7] =	sst s2  }
0xb: {  	[smem:$0x3FA8] =	sst s3  }
0xc: {  	[smem:$0x3FA9] =	sst s4  }
0xd: {  	[smem:$0x3FAA] =	sst s5  }
0xe: {  	[smem:$0x3FAB] =	sst s6  }
0xf: {  	[smem:$0x3FAC] =	sst s7  }
0x10: {  	[smem:$0x3FAD] =	sst s8  }
0x11: {  	[smem:$0x3FAE] =	sst s9;
	s0 =	simm.s32 @!p0 $0x0  }
0x12: {  	s1 =	sld [smem:$0x3F94];
	s0 =	simm.s32 @p0 $0x1  }
0x13: {  	[smem:$0x3FAF] =	sst s0;
	s0 =	simm.s32 @!p1 $0x0  }
0x14: {  	s2 =	sld [smem:$0x3F93];
	s0 =	simm.s32 @p1 $0x1  }
0x15: {  	[smem:$0x3FB0] =	sst s0;
	s0 =	simm.s32 @!p2 $0x0  }
0x16: {  	s3 =	sld [smem:$0x3FDB];
	s0 =	simm.s32 @p2 $0x1  }
0x17: {  	s4 =	simm.s32 $0x1BF5;
	[smem:$0x3FB2] =	sst s0  }
0x18: {  	s0 =	sld [smem:$0x3F95];
	_ =	swait.ge [sflag:s4], $0x0  }
0x19: {  	s7 =	sld [smem:$0x3F96]  }
0x1a: {  	s8 =	sadd.s32 $0xFFFFE003, lr  }
0x1b: {  	s9 =	sadd.s32 $0xFFFFFEF7, lr;
	s5 =	simm.s32 $0xFFFFFFFF;
	p2 =	slt.u32 s8, $0xFFFFF086  }
0x1c: {  	p1 =	slt.u32 s9, $0xF7A;
	s5 =	simm.s32 @!p2 $0x0  }
0x1d: {  	s5 =	simm.s32 @p1 $0x1;
	p0 =	seq.s32 s7, s2  }
0x1e: {  	s7 =	smul.u32 @!p0 $0xF7A, s2;
	p2 =	seq.s32 @!p0 s5, $0x0  }
0x1f: {  	s9 =	smul.u32 $0xF7A, s1;
	s8 =	simm.s32 @!p0 $0x1BF5;
	p2 =	por !p2, p0  }
0x20: {  	[sflag:s8] =	ssyncset.s32 @!p0 $0xFFFFF086;
	s6 =	sadd.s32 @!p0 s3, s7;
	s7 =	simm.s32 @!p0 $0x108  }
0x21: {  	s3 =	sadd.s32 s3, s9;
	s6 =	sadd.s32 @!p0 $0x88, s6;
	s7 =	simm.s32 @p2 $0x1082  }
0x22: {  	[simem:s7], [sflag:s8] =	dma.local @!p0 [hbm:s6], $0xF7A  }
0x23: {  	s9 =	sor.u32 $0xD0000000, s2;
	s6 =	simm.s32 $0x108;
	_ =	swait.ge @!p0 [sflag:s8], $0x0  }
0x24: {  	s3 =	sadd.s32 $0x88, s3;
	s6 =	simm.s32 @!p1 $0x1082;
	[sflag:s4] =	ssyncset.s32 $0xFFFFF086  }
0x25: {  	[simem:s6], [sflag:s4] =	dma.local [hbm:s3], $0xF7A  }
0x26: {  	[smem:$0x3F96] =	sst s1;
	(tag) =	ssettag s2;
	_ =	strace s9  }
0x27: {  	s1 =	sld [smem:$0x3FA6]  }
0x28: {  	s2 =	sld [smem:$0x3FA7]  }
0x29: {  	s4 =	sld [smem:$0x3FA9]  }
0x2a: {  	p0 =	seq.s32 s5, $0x0;
	s5 =	sld [smem:$0x3FAA]  }
0x2b: {  	s6 =	sld [smem:$0x3FAB]  }
0x2c: {  	s7 =	sld [smem:$0x3FAC]  }
0x2d: {  	s3 =	simm.s32 $0x108;
	s8 =	sld [smem:$0x3FAD]  }
0x2e: {  	s3 =	simm.s32 @!p0 $0x1082;
	s9 =	sld [smem:$0x3FAE]  }
0x2f: {  	lr =	sadd.s32 s0, s3;
	s0 =	sld [smem:$0x3FA5]  }
0x30: {  	s3 =	sld [smem:$0x3FA8]  }
0x31: {  	[smem:$0x3FB1] =	sst s10  }
0x32: {  	s10 =	sld [smem:$0x3FAF];
	_ =	sdelay $0x3  }
0x33: {  	p0 =	seq.s32 s10, $0x1;
	s10 =	sld [smem:$0x3FB1];
	_ =	sdelay $0x3  }
0x34: {  	[smem:$0x3FB1] =	sst s10  }
0x35: {  	s10 =	sld [smem:$0x3FB0];
	_ =	sdelay $0x3  }
0x36: {  	p1 =	seq.s32 s10, $0x1;
	s10 =	sld [smem:$0x3FB1];
	_ =	sdelay $0x3  }
0x37: {  	[smem:$0x3FB1] =	sst s10  }
0x38: {  	s10 =	sld [smem:$0x3FB2]  }
0x39: {  	_ = 	snop;
	(pc) =	sbr.ind lr, $3  }
0x3a: {  	_ = 	snop  }
0x3b: {  	_ = 	snop  }
0x3c: {  	p2 =	seq.s32 s10, $0x1;
	s10 =	sld [smem:$0x3FB1]  }
0x3d: {  	_ =	shalt  }
0x3e: {  	_ =	shalt  }
0x3f: {  	_ =	shalt  }
0x40: {  	_ =	shalt  }
0x41: {  	_ =	shalt  }
0x42: {  	_ =	shalt  }
0x43: {  	_ =	shalt  }
0x44: {  	_ =	shalt  }
0x45: {  	_ =	shalt  }
0x46: {  	_ =	shalt  }
0x47: {  	_ =	shalt  }
0x48: {  	_ =	shalt  }
0x49: {  	_ =	shalt  }
0x4a: {  	_ =	shalt  }
0x4b: {  	_ =	shalt  }
0x4c: {  	_ =	shalt  }
0x4d: {  	_ =	shalt  }
0x4e: {  	_ =	shalt  }
0x4f: {  	_ =	shalt  }
0x50: {  	_ =	shalt  }
0x51: {  	_ =	shalt  }
0x52: {  	_ =	shalt  }
0x53: {  	_ =	shalt  }
0x54: {  	_ =	shalt  }
0x55: {  	_ =	shalt  }
0x56: {  	_ =	shalt  }
0x57: {  	_ =	shalt  }
0x58: {  	_ =	shalt  }
0x59: {  	_ =	shalt  }
0x5a: {  	_ =	shalt  }
0x5b: {  	_ =	shalt  }
0x5c: {  	_ =	shalt  }
0x5d: {  	_ =	shalt  }
0x5e: {  	_ =	shalt  }
0x5f: {  	_ =	shalt  }
0x60: {  	_ =	shalt  }
0x61: {  	_ =	shalt  }
0x62: {  	_ =	shalt  }
0x63: {  	_ =	shalt  }
0x64: {  	_ =	shalt  }
0x65: {  	_ =	shalt  }
0x66: {  	_ =	shalt  }
0x67: {  	_ =	shalt  }
0x68: {  	_ =	shalt  }
0x69: {  	_ =	shalt  }
0x6a: {  	_ =	shalt  }
0x6b: {  	_ =	shalt  }
0x6c: {  	_ =	shalt  }
0x6d: {  	_ =	shalt  }
0x6e: {  	_ =	shalt  }
0x6f: {  	_ =	shalt  }
0x70: {  	_ =	shalt  }
0x71: {  	_ =	shalt  }
0x72: {  	_ =	shalt  }
0x73: {  	_ =	shalt  }
0x74: {  	_ =	shalt  }
0x75: {  	_ =	shalt  }
0x76: {  	_ =	shalt  }
0x77: {  	_ =	shalt  }
0x78: {  	_ =	shalt  }
0x79: {  	_ =	shalt  }
0x7a: {  	_ =	shalt  }
0x7b: {  	_ =	shalt  }
0x7c: {  	_ =	shalt  }
0x7d: {  	_ =	shalt  }
0x7e: {  	_ =	shalt  }
0x7f: {  	_ =	shalt  }
0x80: {  	_ =	shalt  }
0x81: {  	_ =	shalt  }
0x82: {  	_ =	shalt  }
0x83: {  	_ =	shalt  }
0x84: {  	_ =	shalt  }
0x85: {  	_ =	shalt  }
0x86: {  	_ =	shalt  }
0x87: {  	_ =	shalt  }
.Lfunc_end0:
.L_simem_size_0:
called_computation_lowered:
.L_overlay_start_0:
0x88: {  	s2 =	sld [smem:$0x3FD9]  }
0x89: {  	s3 =	sld [smem:$0x3FFE];
	_ =	sdelay $0x1  }
0x8a: {  	s1 =	srdreg.scid  }
0x8b: {  	s0 =	sand.u32 $0x1, s1  }
0x8c: {  	s16 =	sshll.u32 s0, $0xA;
	s2 =	sadd.s32 s3, s2  }
0x8d: {  	s2 =	sadd.s32 s2, s16  }
0x8e: {  	[smem:$0x3FBD] =	sst s2  }
0x8f: {  	_ = 	snop  }
0x90: {  	(tm) =	ssettm $0x1  }
0x91: {  	s17 =	sld [smem:$0x3FFB];
	_ =	sdelay $0x3  }
0x92: {  	_ =	strace s17  }
0x93: {  	s2 =	sld [smem:$0x3FFC];
	_ =	sdelay $0x3  }
0x94: {  	_ =	strace s2  }
0x95: {  	s2 =	sld [smem:$0x3FFD];
	_ =	sdelay $0x3  }
0x96: {  	_ =	strace s2  }
0x97: {  	_ =	strace $0x8FFFFFFF  }
0x98: {  	s18 =	sld [smem:$0x3FDB];
	_ =	sdelay $0x1  }
0x99: {  	s19 =	simm.s32 $_scs_section_size  }
0x9a: {  	s4 =	simm.s32 $_size__tile_overlayer_lowered;
	s5 =	simm.s32 $_tile_overlayer_lowered  }
0x9b: {  	s22 =	simm.s32 $0x1BFF;
	s21 =	sshll.u32 s5, $0x1;
	s2 =	sadd.s32 s19, s18  }
0x9c: {  	s6 =	simm.s32 $0x0;
	s20 =	sshll.u32 s4, $0x1;
	s4 =	sadd.s32 s21, s2  }
0x9d: {  	[timem:s6], [sflag:s22] =	dma.local [hbm:s4], s20  }
0x9e: {  	_ =	swait.ge [sflag:s22], s20  }
0x9f: {  	s3 =	ssub.s32 $0x0, s20;
	[sflag:s22] =	ssyncset.done $0x0  }
0xa0: {  	[sflag:s22] =	ssyncadd.s32 s3;
	_ =	sdelay $0x1  }
0xa1: {  	s23 =	simm.s32 $0x1B8B  }
0xa2: {  	_ =	swait.ge [sflag:s23], $0x1  }
0xa3: {  	[sflag:s23] =	ssyncset.done $0x0  }
0xa4: {  	s25 =	simm.s32 $0x1B8E;
	s24 =	sld [smem:$0x3FFE];
	[sflag:s23] =	ssyncadd.s32 $0xFFFFFFFF  }
0xa5: {  	s26 =	simm.s32 $execute0_lowered;
	[smem:$0x3FD2] =	sst s25  }
0xa6: {  	s4 =	sshll.u32 s26, $0x1;
	_ =	strace $0x80000046;
	[dreg:$0x1] =	wrdreg $0xFFFFFFFF  }
0xa7: {  	s28 =	simm.s32 $_size_execute0_lowered;
	s2 =	sadd.s32 s2, s4;
	[dreg:$0x0] =	wrdreg $0x0  }
0xa8: {  	s4 =	sshll.u32 s28, $0x1;
	[dreg:$0x2] =	wrdreg s2  }
0xa9: {  	[dreg:$0x3] =	wrdreg s4  }
0xaa: {  	[dreg:$0x4] =	wrdreg $0xC0  }
0xab: {  	_ =	task [dreg:s6], $0x5FFFF  }
0xac: {  	[dreg:$0x1] =	wrdreg $0xFFFFFFFF  }
0xad: {  	[dreg:$0x0] =	wrdreg $0x60  }
0xae: {  	[dreg:$0x2] =	wrdreg s24  }
0xaf: {  	[dreg:$0x3] =	wrdreg $0x68000  }
0xb0: {  	[dreg:$0x4] =	wrdreg $0x9  }
0xb1: {  	_ =	task.clear_ibuf [dreg:s6], $0x5FFFF;
	_ =	strace $0x90000046  }
0xb2: {  	s29 =	simm.s32 $0x9;
	_ =	strace $0x80000048  }
0xb3: {  	_ =	swait.ge [sflag:s29], $0x1  }
0xb4: {  	[sflag:s29] =	ssyncadd.s32 $0xFFFFFFFF  }
0xb5: {  	_ =	strace $0x90000048  }
0xb6: {  	_ =	sfence  }
0xb7: {  	s30 =	sld [smem:$0x0];
	_ =	sdelay $0x2  }
0xb8: {  	s31 =	sshll.u32 s1, $0xD;
	s1 =	sshrl.u32 s1, $0x2  }
0xb9: {  	s3 =	sand.u32 $0x4000, s31;
	s1 =	sadd.s32 s1, s30  }
0xba: {  	s0 =	sor.u32 s3, s0;
	s1 =	sshll.u32 s1, $0x11  }
0xbb: {  	s0 =	sor.u32 s1, s0  }
0xbc: {  	s0 =	sadd.s32 $0x8F2B, s0  }
0xbd: {  	[sflag:s0] =	ssyncadd.remote.s32 $0x1  }
0xbe: {  	_ =	sfence.sel $0xFFFF  }
0xbf: {  	[dreg:$0x0] =	wrdreg $0xFFFFFFFF;
	(pc) =	sbr.abs _section_cstart, $3  }
0xc0: {  	[dreg:$0x1] =	wrdreg $0xFFFFFFFF  }
0xc1: {  	_ =	task.clear_ibuf [dreg:s6], $0x2FFFF;
	_ =	strace $0x9FFFFFFF  }
0xc2: {  	(tm) =	ssettm $0x7FFFFFFF  }
0xc3: {  	_ =	shalt  }
tec
execute0_lowered:
.L_overlay_start_1:
0x0: {  	(tag) =	ssettag $0x1  }
0x1: {  	s6 =	rddreg [dreg:$0x0]  }
0x2: {  	s0 =	srdreg.scid;
	s2 =	rddreg [dreg:$0x1];
	s3 =	simm.s32 $0x0  }
0x3: {  	s13 =	simm.s32 $0x60;
	s14 =	simm.s32 $0x1;
	s5 =	sand.u32 $0x1, s0  }
0x4: {  	s15 =	simm.s32 $0x0;
	s0 =	stileid.u32;
	s7 =	smul.u32 $0x140000, s5  }
0x5: {  	[smem:$0x7FF] =	sst s3;
	s1 =	sshll.u32 s5, $0x4;
	s8 =	smul.u32 $0x14000, s0  }
0x6: {  	s30 =	ssub.s32 $0x2, s5;
	s10 =	smul.u32 $0x50000, s0;
	s5 =	sadd.s32 $0x10800, s6  }
0x7: {  	s31 =	sshll.u32 s0, $0x6;
	s1 =	sor.u32 s0, s1;
	s11 =	sshrl.u32 s30, $0x1  }
0x8: {  	s4 =	smul.u32 $0x700, s1;
	s1 =	rddreg [dreg:$0x2];
	_ =	strace $0x80000047  }
0x9: {  	s7 =	sadd.s32 s8, s7;
	s8 =	ssub.s32 s30, s11;
	s10 =	sshrl.u32 s10, $0x2  }
0xa: {  	s11 =	sor.u32 $0x1C02, s31;
	s7 =	sshrl.u32 s7, $0x3;
	s12 =	sadd.s32 s10, s2  }
0xb: {  	s8 =	smax.u32 s8, $0x1;
	s10 =	simm.s32 $0x2;
	s9 =	sadd.s32 s4, s6  }
0xc: {  	s4 =	sadd.s32 $0x13000, s6;
	s7 =	sadd.s32 s7, s6;
	s12 =	sshrl.u32 s12, $0x3  }
0xd: {  	s6 =	sadd.s32 $0x2800, s9;
	s7 =	sadd.s32 $0x13600, s7;
	s9 =	simm.s32 $0x3800  }
.LBB2_1:
0xe: {  	[tilespmem:s9], [sflag:$0x2] =	stream.linear.gather [hbm4b:s4+s3], $0x3000, $0x38;
	[tilespmem:$0x1A800] =	vst v63  }
0xf: {  	_ =	swait.ge [sflag:s10], $0x3000  }
0x10: {  	[sflag:s10] =	ssyncset.done $0x0  }
0x11: {  	[sflag:s10] =	ssyncadd.s32 $0xFFFFD000  }
0x12: {  	[tilespmem:s3], [sflag:$0x2] =	stream.linear.gather [hbm4b:s6+s3], $0x3480, $0x38;
	[tilespmem:$0x1A800] =	vst v63  }
0x13: {  	_ =	swait.ge [sflag:s10], $0x3480  }
0x14: {  	[sflag:s10] =	ssyncset.done $0x0  }
0x15: {  	[sflag:s10] =	ssyncadd.s32 $0xFFFFCB80  }
0x16: {  	[spmem:s12], [sflag:s11] =	dma.local [hbm:s5], $0x2800  }
0x17: {  	_ =	swait.ge [sflag:s10], $0x2800  }
0x18: {  	[sflag:s10] =	ssyncset.done $0x0  }
0x19: {  	[sflag:s10] =	ssyncadd.s32 $0xFFFFD800  }
0x1a: {  	s16 =	simm.s32 $0x0;
	[bflag:$0x0] =	sbarrier.arrive $0xFFFF  }
.LBB2_2:
0x1b: {  	p0 =	sne.s32 s16, $0xD000  }
.Ltmp0:
0x1c: {  	_ = 	snop;
	(pc) =	sbr.rel @p0 .LBB2_2-.Ltmp0, $3  }
0x1d: {  	_ =	sdelay $0x1  }
0x1e: {  	s17 =	sshra.s32 s16, $0x2;
	s16 =	sadd.s32 $0x200, s16  }
0x1f: {  	[spmem:s2] =	stream.indirect.scatter.add.f32 [tilespmem:s9], [sflag:$0x1], $0x80, s17, s13, $0xb8;
	[tilespmem:$0x1A800] =	vst v63  }
0x20: {  	_ =	swait.ge [sflag:s14], $0x3000  }
0x21: {  	s16 =	simm.s32 $0x68;
	[sflag:s14] =	ssyncset.done $0x0  }
.LBB2_4:
0x22: {  	p0 =	sne.s32 s16, $0x1;
	s16 =	sadd.s32 $0xFFFFFFFF, s16;
	[sflag:s14] =	ssyncadd.s32 $0xFFFFD000  }
.Ltmp1:
0x23: {  	(pc) =	sbr.rel @p0 .LBB2_4-.Ltmp1, $3  }
0x24: {  	_ =	sdelay $0x1  }
0x25: {  	_ =	swait.ge [sflag:s14], $0x3000  }
0x26: {  	[sflag:s14] =	ssyncset.done $0x0  }
0x27: {  	s15 =	sadd.s32 $0x1, s15  }
0x28: {  	[sflag:s14] =	ssyncadd.s32 $0xFFFFD000;
	p0 =	sne.s32 s15, s8  }
.Ltmp2:
0x29: {  	[bflag:$0x0] =	sbarrier.arrive $0xFFFF;
	(pc) =	sbr.rel @p0 .LBB2_1-.Ltmp2, $4  }
0x2a: {  	[hbm:s7], [sflag:s11] =	dma.local [spmem:s12], $0x2800  }
0x2b: {  	_ =	swait.ge [sflag:s10], $0x2800  }
0x2c: {  	[sflag:s10] =	ssyncset.done $0x0  }
0x2d: {  	[sflag:s10] =	ssyncadd.s32 $0xFFFFD800  }
0x2e: {  	_ =	sfence.sel $0x180000  }
0x2f: {  	[bflag:$0x0] =	sbarrier.arrive $0xFFFF  }
0x30: {  	p0 =	sne.s32 s0, $0x0;
	_ =	strace $0x90000047  }
0x31: {  	s0 =	sadd.s32 @!p0 $0x100000, s1;
	[bflag:$0x2] =	sbarrier.arrive $0xFFFF  }
0x32: {  	[sflag:s0] =	ssyncadd.tile.s32 @!p0 $0x1;
	_ =	shalt  }
.Lfunc_end2:
_tile_overlayer_lowered:
.L_overlay_start_2:
0x33: {  	(tag) =	ssettag $0x2  }
0x34: {  	s0 =	rddreg [dreg:$0x0];
	s2 =	stileid.u32  }
0x35: {  	s1 =	rddreg [dreg:$0x1];
	p0 =	sne.s32 s2, $0x0  }
0x36: {  	s3 =	rddreg [dreg:$0x2];
	[bflag:$0x3] =	sbarrier.arrive $0xFFFF;
	s2 =	simm.s32 @!p0 $0x1C02  }
0x37: {  	[timem:s3], [sflag:s2] =	dma.local @!p0 [hbm:s0], s1  }
0x38: {  	s0 =	simm.s32 @!p0 $0x2  }
0x39: {  	_ =	swait.ge @!p0 [sflag:s0], s1  }
0x3a: {  	s1 =	ssub.s32 @!p0 $0x0, s1;
	[sflag:s0] =	ssyncset.done @!p0 $0x0  }
0x3b: {  	[sflag:s0] =	ssyncadd.s32 @!p0 s1  }
0x3c: {  	[bflag:$0x3] =	sbarrier.arrive $0xFFFF  }
0x3d: {  	_ =	shalt  }

</sc_bundles>
